<compile_context>
chip_gen: v7x
topology: tpu7x:2x2x1
jax: 0.10.2.dev20260603
libtpu: 0.0.44.dev20260713+nightly
codegen_flags: <defaults>
</compile_context>

<pallas_src>
import functools

import jax
import jax.numpy as jnp
from jax import lax
from jax.experimental import pallas as pl
from jax.experimental.pallas import tpu as pltpu
from jax.experimental.pallas import tpu_sc as plsc

B, C, H, W = 256, 3, 128, 128
T = 1000
L = 16
ROWS = C * H
R = 16


SC_MESH_CORES = 1


def _sc_gather_body(t_hbm, sab_hbm, somab_hbm, ovals_hbm,
                    idx_v, tab_v, v_v, sem_in, sem_out):
    wid = lax.axis_index("s") * SC_MESH_CORES + lax.axis_index("c")
    nchunks = B // L

    @pl.when(wid < nchunks)
    def _():
        base = wid * L
        cp_idx = pltpu.async_copy(t_hbm.at[pl.ds(base, L)], idx_v, sem_in)
        cp_t1 = pltpu.async_copy(sab_hbm, tab_v.at[pl.ds(0, T)], sem_in)
        cp_t2 = pltpu.async_copy(somab_hbm, tab_v.at[pl.ds(T, T)], sem_in)
        cp_idx.wait()
        cp_t1.wait()
        cp_t2.wait()
        idx = idx_v[...]
        v_v[pl.ds(0, L)] = plsc.load_gather(tab_v, [idx])
        v_v[pl.ds(L, L)] = plsc.load_gather(tab_v, [idx + T])
        pltpu.async_copy(v_v, ovals_hbm.at[pl.ds(wid * 2 * L, 2 * L)],
                         sem_out).wait()


def _sc_gather(t, sab_table, somab_table):
    mesh = plsc.VectorSubcoreMesh(core_axis_name="c", subcore_axis_name="s",
                                  num_cores=SC_MESH_CORES)
    fn = functools.partial(
        pl.kernel,
        mesh=mesh,
        compiler_params=pltpu.CompilerParams(needs_layout_passes=False),
        out_type=jax.ShapeDtypeStruct((2 * B,), jnp.float32),
        scratch_types=[
            pltpu.VMEM((L,), jnp.int32),
            pltpu.VMEM((2 * T,), jnp.float32),
            pltpu.VMEM((2 * L,), jnp.float32),
            pltpu.SemaphoreType.DMA,
            pltpu.SemaphoreType.DMA,
        ],
    )(_sc_gather_body)
    return fn(t, sab_table, somab_table)


def _tc_body(vals_ref, x_ref, n_ref, o_ref):
    i = pl.program_id(0)
    for r in range(R):
        j = i * R + r
        q, l = j // L, j % L
        s1 = vals_ref[q * 2 * L + l]
        s2 = vals_ref[q * 2 * L + L + l]
        o_ref[r] = s1 * x_ref[r] + s2 * n_ref[r]


def _tc_fma(vals, x3, n3):
    return pl.pallas_call(
        _tc_body,
        grid=(B // R,),
        in_specs=[
            pl.BlockSpec(memory_space=pltpu.SMEM),
            pl.BlockSpec((R, ROWS, W), lambda i: (i, 0, 0)),
            pl.BlockSpec((R, ROWS, W), lambda i: (i, 0, 0)),
        ],
        out_specs=pl.BlockSpec((R, ROWS, W), lambda i: (i, 0, 0)),
        out_shape=jax.ShapeDtypeStruct((B, ROWS, W), jnp.float32),
    )(vals, x3, n3)


def kernel(x_0, t, noise, sqrt_alpha_bar, sqrt_one_minus_alpha_bar):
    t32 = t.astype(jnp.int32)
    vals = _sc_gather(t32, sqrt_alpha_bar, sqrt_one_minus_alpha_bar)
    x3 = x_0.reshape(B, ROWS, W)
    n3 = noise.reshape(B, ROWS, W)
    x_t = _tc_fma(vals, x3, n3)
    return x_t.reshape(B, C, H, W), noise

# --- scband reference (transcript-rebuilt; emitter-appended) ---
"""Pipeline reference for scband-ddpmforward-process-10909216932592 (READ-ONLY COPY).

The authoritative reference and input builder live on the scoring server;
editing this copy changes nothing except your own understanding.
"""

import jax, jax.numpy as jnp
import numpy as np

NUM_TIMESTEPS = 1000
BETA_START = 1e-4
BETA_END = 0.02
B, C, H, W = 256, 3, 128, 128


def _make_schedule():
    betas = jnp.linspace(BETA_START, BETA_END, NUM_TIMESTEPS, dtype=jnp.float32)
    alphas = 1.0 - betas
    alpha_bar = jnp.cumprod(alphas)
    sqrt_alpha_bar = jnp.sqrt(alpha_bar)
    sqrt_one_minus_alpha_bar = jnp.sqrt(1.0 - alpha_bar)
    return sqrt_alpha_bar, sqrt_one_minus_alpha_bar


def setup_inputs(seed: int = 0) -> dict:
    key = jax.random.key(seed)
    k1, k2, k3 = jax.random.split(key, 3)
    x_0 = jax.random.normal(k1, (B, C, H, W), dtype=jnp.float32)
    t = jax.random.randint(k2, (B,), 0, NUM_TIMESTEPS, dtype=jnp.int64 if jax.config.read('jax_enable_x64') else jnp.int32)
    noise = jax.random.normal(k3, (B, C, H, W), dtype=jnp.float32)
    sqrt_alpha_bar, sqrt_one_minus_alpha_bar = _make_schedule()
    return {
        'x_0': x_0,
        't': t,
        'noise': noise,
        'sqrt_alpha_bar': sqrt_alpha_bar,
        'sqrt_one_minus_alpha_bar': sqrt_one_minus_alpha_bar,
    }


def _get_value(table, t, target_ndim):
    # gather per-timestep scalar and broadcast to (B, 1, 1, 1)
    vals = jnp.take(table, t, axis=0)
    return vals.reshape(vals.shape[0], *([1] * (target_ndim - 1)))


def reference(x_0, t, noise, sqrt_alpha_bar, sqrt_one_minus_alpha_bar):
    sab = _get_value(sqrt_alpha_bar, t, x_0.ndim)
    somab = _get_value(sqrt_one_minus_alpha_bar, t, x_0.ndim)
    x_t = sab * x_0 + somab * noise
    return (x_t, noise)

if __name__ == "__main__":
    import jax
    _d = setup_inputs()
    print(jax.jit(kernel)(*tuple(_d.values())))

</pallas_src>

<mosaic_0001>
#map = affine_map<(d0, d1) -> (0)>
module attributes {stable_mosaic.version = 14 : i64} {
  func.func @_sc_gather_body(%arg0: i32, %arg1: i32, %arg2: memref<256xi32, #tpu.memory_space<hbm>>, %arg3: memref<1000xf32, #tpu.memory_space<hbm>>, %arg4: memref<1000xf32, #tpu.memory_space<hbm>>, %arg5: memref<512xf32, #tpu.memory_space<hbm>>, %arg6: memref<16xi32, #tpu.memory_space<vmem>>, %arg7: memref<2000xf32, #tpu.memory_space<vmem>>, %arg8: memref<32xf32, #tpu.memory_space<vmem>>, %arg9: memref<!tpu.dma_semaphore, #tpu.memory_space<semaphore_mem>>, %arg10: memref<!tpu.dma_semaphore, #tpu.memory_space<semaphore_mem>>) attributes {dimension_semantics = [#tpu.dimension_semantics<core_parallel>, #tpu.dimension_semantics<subcore_parallel>], iteration_bounds = array<i64: 1, 16>, scalar_prefetch = 0 : i64, scratch_operands = 5 : i64, tpu.core_type = #tpu.core_type<sc_vector_subcore>, window_params = [{transform_indices = #map}, {transform_indices = #map}, {transform_indices = #map}, {transform_indices = #map}]} {
    %mul3A = arith.constant 1 : i32
    %mul3A_0 = arith.muli %arg1, %mul3A : i32
    %add3A = arith.addi %mul3A_0, %arg0 : i32
    %lt3A = arith.constant 16 : i32
    %lt3A_1 = arith.cmpi slt, %add3A, %lt3A : i32
    %convert_element_type3A = arith.extui %lt3A_1 : i1 to i32
    %cond3A = arith.constant 0 : i32
    %cond3A_2 = arith.cmpi ne, %convert_element_type3A, %cond3A : i32
    scf.if %cond3A_2 {
      %mul3A_3 = arith.constant 16 : i32
      %mul3A_4 = arith.muli %add3A, %mul3A_3 : i32
      %dma_start3A = tpu.memref_slice %arg2[%mul3A_4] : memref<256xi32, #tpu.memory_space<hbm>> -> memref<16xi32, #tpu.memory_space<hbm>>
      %dma_start3A_5 = tpu.memref_slice %arg2[%mul3A_4] : memref<256xi32, #tpu.memory_space<hbm>> -> memref<16xi32, #tpu.memory_space<hbm>>
      tpu.enqueue_dma source(%dma_start3A_5 : memref<16xi32, #tpu.memory_space<hbm>>) target(%arg6 : memref<16xi32, #tpu.memory_space<vmem>>) target_semaphore(%arg9 : memref<!tpu.dma_semaphore, #tpu.memory_space<semaphore_mem>>)
      %dma_start3A_6 = arith.constant 0 : i32
      %dma_start3A_7 = tpu.memref_slice %arg7[%dma_start3A_6] : memref<2000xf32, #tpu.memory_space<vmem>> -> memref<1000xf32, #tpu.memory_space<vmem>>
      %dma_start3A_8 = arith.constant 0 : i32
      %dma_start3A_9 = tpu.memref_slice %arg7[%dma_start3A_8] : memref<2000xf32, #tpu.memory_space<vmem>> -> memref<1000xf32, #tpu.memory_space<vmem>>
      tpu.enqueue_dma source(%arg3 : memref<1000xf32, #tpu.memory_space<hbm>>) target(%dma_start3A_9 : memref<1000xf32, #tpu.memory_space<vmem>>) target_semaphore(%arg9 : memref<!tpu.dma_semaphore, #tpu.memory_space<semaphore_mem>>)
      %dma_start3A_10 = arith.constant 1000 : i32
      %dma_start3A_11 = tpu.memref_slice %arg7[%dma_start3A_10] : memref<2000xf32, #tpu.memory_space<vmem>> -> memref<1000xf32, #tpu.memory_space<vmem>>
      %dma_start3A_12 = arith.constant 1000 : i32
      %dma_start3A_13 = tpu.memref_slice %arg7[%dma_start3A_12] : memref<2000xf32, #tpu.memory_space<vmem>> -> memref<1000xf32, #tpu.memory_space<vmem>>
      tpu.enqueue_dma source(%arg4 : memref<1000xf32, #tpu.memory_space<hbm>>) target(%dma_start3A_13 : memref<1000xf32, #tpu.memory_space<vmem>>) target_semaphore(%arg9 : memref<!tpu.dma_semaphore, #tpu.memory_space<semaphore_mem>>)
      %dma_wait3A = tpu.memref_slice %arg2[%mul3A_4] : memref<256xi32, #tpu.memory_space<hbm>> -> memref<16xi32, #tpu.memory_space<hbm>>
      %dma_wait3A_14 = tpu.memref_slice %arg2[%mul3A_4] : memref<256xi32, #tpu.memory_space<hbm>> -> memref<16xi32, #tpu.memory_space<hbm>>
      tpu.wait_dma2 semaphore(%arg9 : memref<!tpu.dma_semaphore, #tpu.memory_space<semaphore_mem>>) src(%dma_wait3A_14 : memref<16xi32, #tpu.memory_space<hbm>>) dst(%arg6 : memref<16xi32, #tpu.memory_space<vmem>>)
      %dma_wait3A_15 = arith.constant 0 : i32
      %dma_wait3A_16 = tpu.memref_slice %arg7[%dma_wait3A_15] : memref<2000xf32, #tpu.memory_space<vmem>> -> memref<1000xf32, #tpu.memory_space<vmem>>
      %dma_wait3A_17 = arith.constant 0 : i32
      %dma_wait3A_18 = tpu.memref_slice %arg7[%dma_wait3A_17] : memref<2000xf32, #tpu.memory_space<vmem>> -> memref<1000xf32, #tpu.memory_space<vmem>>
      tpu.wait_dma2 semaphore(%arg9 : memref<!tpu.dma_semaphore, #tpu.memory_space<semaphore_mem>>) src(%arg3 : memref<1000xf32, #tpu.memory_space<hbm>>) dst(%dma_wait3A_18 : memref<1000xf32, #tpu.memory_space<vmem>>)
      %dma_wait3A_19 = arith.constant 1000 : i32
      %dma_wait3A_20 = tpu.memref_slice %arg7[%dma_wait3A_19] : memref<2000xf32, #tpu.memory_space<vmem>> -> memref<1000xf32, #tpu.memory_space<vmem>>
      %dma_wait3A_21 = arith.constant 1000 : i32
      %dma_wait3A_22 = tpu.memref_slice %arg7[%dma_wait3A_21] : memref<2000xf32, #tpu.memory_space<vmem>> -> memref<1000xf32, #tpu.memory_space<vmem>>
      tpu.wait_dma2 semaphore(%arg9 : memref<!tpu.dma_semaphore, #tpu.memory_space<semaphore_mem>>) src(%arg4 : memref<1000xf32, #tpu.memory_space<hbm>>) dst(%dma_wait3A_22 : memref<1000xf32, #tpu.memory_space<vmem>>)
      %get3A = arith.constant 0 : index
      %get3A_23 = tpu.vector_load %arg6[%get3A] {strides = array<i32>} : memref<16xi32, #tpu.memory_space<vmem>>, vector<16xi32>,
      %gather3A = tpu.vector_load_idx %arg7[%get3A_23] : memref<2000xf32, #tpu.memory_space<vmem>>[vector<16xi32>], vector<16xf32>,
      %swap3A = arith.constant 0 : index
      %swap3A_24 = tpu.vector_load %arg8[%swap3A] {strides = array<i32>} : memref<32xf32, #tpu.memory_space<vmem>>, vector<16xf32>,
      tpu.vector_store %arg8[%swap3A], %gather3A {strides = array<i32>} : memref<32xf32, #tpu.memory_space<vmem>>, vector<16xf32>,
      %add3A_25 = arith.constant 1000 : i32
      %add3A_26 = vector.broadcast %add3A_25 : i32 to vector<16xi32>
      %add3A_27 = arith.addi %get3A_23, %add3A_26 : vector<16xi32>
      %gather3A_28 = tpu.vector_load_idx %arg7[%add3A_27] : memref<2000xf32, #tpu.memory_space<vmem>>[vector<16xi32>], vector<16xf32>,
      %swap3A_29 = arith.constant 16 : index
      %swap3A_30 = tpu.vector_load %arg8[%swap3A_29] {strides = array<i32>} : memref<32xf32, #tpu.memory_space<vmem>>, vector<16xf32>,
      tpu.vector_store %arg8[%swap3A_29], %gather3A_28 {strides = array<i32>} : memref<32xf32, #tpu.memory_space<vmem>>, vector<16xf32>,
      %mul3A_31 = arith.constant 2 : i32
      %mul3A_32 = arith.muli %add3A, %mul3A_31 : i32
      %mul3A_33 = arith.constant 16 : i32
      %mul3A_34 = arith.muli %mul3A_32, %mul3A_33 : i32
      %dma_start3A_35 = tpu.memref_slice %arg5[%mul3A_34] : memref<512xf32, #tpu.memory_space<hbm>> -> memref<32xf32, #tpu.memory_space<hbm>>
      %dma_start3A_36 = tpu.memref_slice %arg5[%mul3A_34] : memref<512xf32, #tpu.memory_space<hbm>> -> memref<32xf32, #tpu.memory_space<hbm>>
      tpu.enqueue_dma source(%arg8 : memref<32xf32, #tpu.memory_space<vmem>>) target(%dma_start3A_36 : memref<32xf32, #tpu.memory_space<hbm>>) target_semaphore(%arg10 : memref<!tpu.dma_semaphore, #tpu.memory_space<semaphore_mem>>)
      %dma_wait3A_37 = tpu.memref_slice %arg5[%mul3A_34] : memref<512xf32, #tpu.memory_space<hbm>> -> memref<32xf32, #tpu.memory_space<hbm>>
      %dma_wait3A_38 = tpu.memref_slice %arg5[%mul3A_34] : memref<512xf32, #tpu.memory_space<hbm>> -> memref<32xf32, #tpu.memory_space<hbm>>
      tpu.wait_dma2 semaphore(%arg10 : memref<!tpu.dma_semaphore, #tpu.memory_space<semaphore_mem>>) src(%arg8 : memref<32xf32, #tpu.memory_space<vmem>>) dst(%dma_wait3A_38 : memref<32xf32, #tpu.memory_space<hbm>>)
    } else {
    }
    return
  }
}

module attributes {stable_mosaic.version = 14 : i64} {
  func.func @_tc_body(%arg0: i32, %arg1: memref<512xf32, #tpu.memory_space<smem>>, %arg2: memref<16x384x128xf32, #tpu.memory_space<vmem>>, %arg3: memref<16x384x128xf32, #tpu.memory_space<vmem>>, %arg4: memref<16x384x128xf32, #tpu.memory_space<vmem>>) attributes {dimension_semantics = [#tpu.dimension_semantics<arbitrary>], iteration_bounds = array<i64: 16>, scalar_prefetch = 0 : i64, scratch_operands = 0 : i64, tpu.core_type = #tpu.core_type<tc>, window_params = [{transform_indices = @transform_0, window_bounds = array<i64: 512>}, {transform_indices = @transform_1, window_bounds = array<i64: 16, 384, 128>}, {transform_indices = @transform_2, window_bounds = array<i64: 16, 384, 128>}, {transform_indices = @transform_3, window_bounds = array<i64: 16, 384, 128>}]} {
    %mul3A = arith.constant 16 : i32
    %mul3A_0 = arith.muli %arg0, %mul3A : i32
    %add3A = arith.constant 0 : i32
    %add3A_1 = arith.addi %mul3A_0, %add3A : i32
    %jit3A = arith.constant 16 : i32
    %div3A = arith.divsi %add3A_1, %jit3A : i32
    %sign3A = arith.constant 0 : i32
    %sign3A_2 = arith.cmpi sgt, %add3A_1, %sign3A : i32
    %sign3A_3 = arith.extui %sign3A_2 : i1 to i32
    %sign3A_4 = arith.constant 0 : i32
    %sign3A_5 = arith.cmpi slt, %add3A_1, %sign3A_4 : i32
    %sign3A_6 = arith.extui %sign3A_5 : i1 to i32
    %sign3A_7 = arith.subi %sign3A_3, %sign3A_6 : i32
    %sign3A_8 = arith.constant 0 : i32
    %sign3A_9 = arith.cmpi sgt, %jit3A, %sign3A_8 : i32
    %sign3A_10 = arith.extui %sign3A_9 : i1 to i32
    %sign3A_11 = arith.constant 0 : i32
    %sign3A_12 = arith.cmpi slt, %jit3A, %sign3A_11 : i32
    %sign3A_13 = arith.extui %sign3A_12 : i1 to i32
    %sign3A_14 = arith.subi %sign3A_10, %sign3A_13 : i32
    %ne3A = arith.cmpi ne, %sign3A_7, %sign3A_14 : i32
    %rem3A = arith.remsi %add3A_1, %jit3A : i32
    %ne3A_15 = arith.constant 0 : i32
    %ne3A_16 = arith.cmpi ne, %rem3A, %ne3A_15 : i32
    %and3A = arith.andi %ne3A, %ne3A_16 : i1
    %sub3A = arith.constant 1 : i32
    %sub3A_17 = arith.subi %div3A, %sub3A : i32
    %select_n3A = arith.select %and3A, %sub3A_17, %div3A : i32
    %jit3A_18 = arith.constant 16 : i32
    %eq3A = arith.constant 0 : i32
    %eq3A_19 = arith.cmpi eq, %jit3A_18, %eq3A : i32
    %jit3A_20 = arith.constant 1 : i32
    %select_n3A_21 = arith.select %eq3A_19, %jit3A_20, %jit3A_18 : i32
    %rem3A_22 = arith.remsi %add3A_1, %select_n3A_21 : i32
    %ne3A_23 = arith.constant 0 : i32
    %ne3A_24 = arith.cmpi ne, %rem3A_22, %ne3A_23 : i32
    %lt3A = arith.constant 0 : i32
    %lt3A_25 = arith.cmpi slt, %rem3A_22, %lt3A : i32
    %lt3A_26 = arith.constant 0 : i32
    %lt3A_27 = arith.cmpi slt, %select_n3A_21, %lt3A_26 : i32
    %ne3A_28 = arith.xori %lt3A_25, %lt3A_27 : i1
    %and3A_29 = arith.andi %ne3A_28, %ne3A_24 : i1
    %add3A_30 = arith.addi %rem3A_22, %select_n3A_21 : i32
    %select_n3A_31 = arith.select %and3A_29, %add3A_30, %rem3A_22 : i32
    %mul3A_32 = arith.constant 2 : i32
    %mul3A_33 = arith.muli %select_n3A, %mul3A_32 : i32
    %mul3A_34 = arith.constant 16 : i32
    %mul3A_35 = arith.muli %mul3A_33, %mul3A_34 : i32
    %add3A_36 = arith.addi %mul3A_35, %select_n3A_31 : i32
    %get3A = arith.index_cast %add3A_36 : i32 to index
    %get3A_37 = memref.load %arg1[%get3A] : memref<512xf32, #tpu.memory_space<smem>>
    %mul3A_38 = arith.constant 2 : i32
    %mul3A_39 = arith.muli %select_n3A, %mul3A_38 : i32
    %mul3A_40 = arith.constant 16 : i32
    %mul3A_41 = arith.muli %mul3A_39, %mul3A_40 : i32
    %add3A_42 = arith.constant 16 : i32
    %add3A_43 = arith.addi %mul3A_41, %add3A_42 : i32
    %add3A_44 = arith.addi %add3A_43, %select_n3A_31 : i32
    %get3A_45 = arith.index_cast %add3A_44 : i32 to index
    %get3A_46 = memref.load %arg1[%get3A_45] : memref<512xf32, #tpu.memory_space<smem>>
    %get3A_47 = arith.constant 0 : index
    %get3A_48 = arith.constant 0 : index
    %get3A_49 = arith.constant 0 : index
    %get3A_50 = vector.load %arg2[%get3A_47, %get3A_48, %get3A_49] : memref<16x384x128xf32, #tpu.memory_space<vmem>>, vector<1x384x128xf32>
    %get3A_51 = vector.shape_cast %get3A_50 : vector<1x384x128xf32> to vector<384x128xf32>
    %mul3A_52 = vector.broadcast %get3A_37 : f32 to vector<384x128xf32>
    %mul3A_53 = arith.mulf %mul3A_52, %get3A_51 : vector<384x128xf32>
    %get3A_54 = arith.constant 0 : index
    %get3A_55 = arith.constant 0 : index
    %get3A_56 = arith.constant 0 : index
    %get3A_57 = vector.load %arg3[%get3A_54, %get3A_55, %get3A_56] : memref<16x384x128xf32, #tpu.memory_space<vmem>>, vector<1x384x128xf32>
    %get3A_58 = vector.shape_cast %get3A_57 : vector<1x384x128xf32> to vector<384x128xf32>
    %mul3A_59 = vector.broadcast %get3A_46 : f32 to vector<384x128xf32>
    %mul3A_60 = arith.mulf %mul3A_59, %get3A_58 : vector<384x128xf32>
    %add3A_61 = arith.addf %mul3A_53, %mul3A_60 : vector<384x128xf32>
    %swap3A = arith.constant 0 : index
    %swap3A_62 = arith.constant 0 : index
    %swap3A_63 = arith.constant 0 : index
    %swap3A_64 = vector.load %arg4[%swap3A, %swap3A_62, %swap3A_63] : memref<16x384x128xf32, #tpu.memory_space<vmem>>, vector<1x384x128xf32>
    %swap3A_65 = vector.shape_cast %swap3A_64 : vector<1x384x128xf32> to vector<384x128xf32>
    %swap3A_66 = vector.shape_cast %add3A_61 : vector<384x128xf32> to vector<1x384x128xf32>
    tpu.vector_store %arg4[%swap3A, %swap3A_62, %swap3A_63], %swap3A_66 {strides = array<i32>} : memref<16x384x128xf32, #tpu.memory_space<vmem>>, vector<1x384x128xf32>,
    %mul3A_67 = arith.constant 16 : i32
    %mul3A_68 = arith.muli %arg0, %mul3A_67 : i32
    %add3A_69 = arith.constant 1 : i32
    %add3A_70 = arith.addi %mul3A_68, %add3A_69 : i32
    %jit3A_71 = arith.constant 16 : i32
    %div3A_72 = arith.divsi %add3A_70, %jit3A_71 : i32
    %sign3A_73 = arith.constant 0 : i32
    %sign3A_74 = arith.cmpi sgt, %add3A_70, %sign3A_73 : i32
    %sign3A_75 = arith.extui %sign3A_74 : i1 to i32
    %sign3A_76 = arith.constant 0 : i32
    %sign3A_77 = arith.cmpi slt, %add3A_70, %sign3A_76 : i32
    %sign3A_78 = arith.extui %sign3A_77 : i1 to i32
    %sign3A_79 = arith.subi %sign3A_75, %sign3A_78 : i32
    %sign3A_80 = arith.constant 0 : i32
    %sign3A_81 = arith.cmpi sgt, %jit3A_71, %sign3A_80 : i32
    %sign3A_82 = arith.extui %sign3A_81 : i1 to i32
    %sign3A_83 = arith.constant 0 : i32
    %sign3A_84 = arith.cmpi slt, %jit3A_71, %sign3A_83 : i32
    %sign3A_85 = arith.extui %sign3A_84 : i1 to i32
    %sign3A_86 = arith.subi %sign3A_82, %sign3A_85 : i32
    %ne3A_87 = arith.cmpi ne, %sign3A_79, %sign3A_86 : i32
    %rem3A_88 = arith.remsi %add3A_70, %jit3A_71 : i32
    %ne3A_89 = arith.constant 0 : i32
    %ne3A_90 = arith.cmpi ne, %rem3A_88, %ne3A_89 : i32
    %and3A_91 = arith.andi %ne3A_87, %ne3A_90 : i1
    %sub3A_92 = arith.constant 1 : i32
    %sub3A_93 = arith.subi %div3A_72, %sub3A_92 : i32
    %select_n3A_94 = arith.select %and3A_91, %sub3A_93, %div3A_72 : i32
    %jit3A_95 = arith.constant 16 : i32
    %eq3A_96 = arith.constant 0 : i32
    %eq3A_97 = arith.cmpi eq, %jit3A_95, %eq3A_96 : i32
    %jit3A_98 = arith.constant 1 : i32
    %select_n3A_99 = arith.select %eq3A_97, %jit3A_98, %jit3A_95 : i32
    %rem3A_100 = arith.remsi %add3A_70, %select_n3A_99 : i32
    %ne3A_101 = arith.constant 0 : i32
    %ne3A_102 = arith.cmpi ne, %rem3A_100, %ne3A_101 : i32
    %lt3A_103 = arith.constant 0 : i32
    %lt3A_104 = arith.cmpi slt, %rem3A_100, %lt3A_103 : i32
    %lt3A_105 = arith.constant 0 : i32
    %lt3A_106 = arith.cmpi slt, %select_n3A_99, %lt3A_105 : i32
    %ne3A_107 = arith.xori %lt3A_104, %lt3A_106 : i1
    %and3A_108 = arith.andi %ne3A_107, %ne3A_102 : i1
    %add3A_109 = arith.addi %rem3A_100, %select_n3A_99 : i32
    %select_n3A_110 = arith.select %and3A_108, %add3A_109, %rem3A_100 : i32
    %mul3A_111 = arith.constant 2 : i32
    %mul3A_112 = arith.muli %select_n3A_94, %mul3A_111 : i32
    %mul3A_113 = arith.constant 16 : i32
    %mul3A_114 = arith.muli %mul3A_112, %mul3A_113 : i32
    %add3A_115 = arith.addi %mul3A_114, %select_n3A_110 : i32
    %get3A_116 = arith.index_cast %add3A_115 : i32 to index
    %get3A_117 = memref.load %arg1[%get3A_116] : memref<512xf32, #tpu.memory_space<smem>>
    %mul3A_118 = arith.constant 2 : i32
    %mul3A_119 = arith.muli %select_n3A_94, %mul3A_118 : i32
    %mul3A_120 = arith.constant 16 : i32
    %mul3A_121 = arith.muli %mul3A_119, %mul3A_120 : i32
    %add3A_122 = arith.constant 16 : i32
    %add3A_123 = arith.addi %mul3A_121, %add3A_122 : i32
    %add3A_124 = arith.addi %add3A_123, %select_n3A_110 : i32
    %get3A_125 = arith.index_cast %add3A_124 : i32 to index
    %get3A_126 = memref.load %arg1[%get3A_125] : memref<512xf32, #tpu.memory_space<smem>>
    %get3A_127 = arith.constant 1 : index
    %get3A_128 = arith.constant 0 : index
    %get3A_129 = arith.constant 0 : index
    %get3A_130 = vector.load %arg2[%get3A_127, %get3A_128, %get3A_129] : memref<16x384x128xf32, #tpu.memory_space<vmem>>, vector<1x384x128xf32>
    %get3A_131 = vector.shape_cast %get3A_130 : vector<1x384x128xf32> to vector<384x128xf32>
    %mul3A_132 = vector.broadcast %get3A_117 : f32 to vector<384x128xf32>
    %mul3A_133 = arith.mulf %mul3A_132, %get3A_131 : vector<384x128xf32>
    %get3A_134 = arith.constant 1 : index
    %get3A_135 = arith.constant 0 : index
    %get3A_136 = arith.constant 0 : index
    %get3A_137 = vector.load %arg3[%get3A_134, %get3A_135, %get3A_136] : memref<16x384x128xf32, #tpu.memory_space<vmem>>, vector<1x384x128xf32>
    %get3A_138 = vector.shape_cast %get3A_137 : vector<1x384x128xf32> to vector<384x128xf32>
    %mul3A_139 = vector.broadcast %get3A_126 : f32 to vector<384x128xf32>
    %mul3A_140 = arith.mulf %mul3A_139, %get3A_138 : vector<384x128xf32>
    %add3A_141 = arith.addf %mul3A_133, %mul3A_140 : vector<384x128xf32>
    %swap3A_142 = arith.constant 1 : index
    %swap3A_143 = arith.constant 0 : index
    %swap3A_144 = arith.constant 0 : index
    %swap3A_145 = vector.load %arg4[%swap3A_142, %swap3A_143, %swap3A_144] : memref<16x384x128xf32, #tpu.memory_space<vmem>>, vector<1x384x128xf32>
    %swap3A_146 = vector.shape_cast %swap3A_145 : vector<1x384x128xf32> to vector<384x128xf32>
    %swap3A_147 = vector.shape_cast %add3A_141 : vector<384x128xf32> to vector<1x384x128xf32>
    tpu.vector_store %arg4[%swap3A_142, %swap3A_143, %swap3A_144], %swap3A_147 {strides = array<i32>} : memref<16x384x128xf32, #tpu.memory_space<vmem>>, vector<1x384x128xf32>,
    %mul3A_148 = arith.constant 16 : i32
    %mul3A_149 = arith.muli %arg0, %mul3A_148 : i32
    %add3A_150 = arith.constant 2 : i32
    %add3A_151 = arith.addi %mul3A_149, %add3A_150 : i32
    %jit3A_152 = arith.constant 16 : i32
    %div3A_153 = arith.divsi %add3A_151, %jit3A_152 : i32
    %sign3A_154 = arith.constant 0 : i32
    %sign3A_155 = arith.cmpi sgt, %add3A_151, %sign3A_154 : i32
    %sign3A_156 = arith.extui %sign3A_155 : i1 to i32
    %sign3A_157 = arith.constant 0 : i32
    %sign3A_158 = arith.cmpi slt, %add3A_151, %sign3A_157 : i32
    %sign3A_159 = arith.extui %sign3A_158 : i1 to i32
    %sign3A_160 = arith.subi %sign3A_156, %sign3A_159 : i32
    %sign3A_161 = arith.constant 0 : i32
    %sign3A_162 = arith.cmpi sgt, %jit3A_152, %sign3A_161 : i32
    %sign3A_163 = arith.extui %sign3A_162 : i1 to i32
    %sign3A_164 = arith.constant 0 : i32
    %sign3A_165 = arith.cmpi slt, %jit3A_152, %sign3A_164 : i32
    %sign3A_166 = arith.extui %sign3A_165 : i1 to i32
    %sign3A_167 = arith.subi %sign3A_163, %sign3A_166 : i32
    %ne3A_168 = arith.cmpi ne, %sign3A_160, %sign3A_167 : i32
    %rem3A_169 = arith.remsi %add3A_151, %jit3A_152 : i32
    %ne3A_170 = arith.constant 0 : i32
    %ne3A_171 = arith.cmpi ne, %rem3A_169, %ne3A_170 : i32
    %and3A_172 = arith.andi %ne3A_168, %ne3A_171 : i1
    %sub3A_173 = arith.constant 1 : i32
    %sub3A_174 = arith.subi %div3A_153, %sub3A_173 : i32
    %select_n3A_175 = arith.select %and3A_172, %sub3A_174, %div3A_153 : i32
    %jit3A_176 = arith.constant 16 : i32
    %eq3A_177 = arith.constant 0 : i32
    %eq3A_178 = arith.cmpi eq, %jit3A_176, %eq3A_177 : i32
    %jit3A_179 = arith.constant 1 : i32
    %select_n3A_180 = arith.select %eq3A_178, %jit3A_179, %jit3A_176 : i32
    %rem3A_181 = arith.remsi %add3A_151, %select_n3A_180 : i32
    %ne3A_182 = arith.constant 0 : i32
    %ne3A_183 = arith.cmpi ne, %rem3A_181, %ne3A_182 : i32
    %lt3A_184 = arith.constant 0 : i32
    %lt3A_185 = arith.cmpi slt, %rem3A_181, %lt3A_184 : i32
    %lt3A_186 = arith.constant 0 : i32
    %lt3A_187 = arith.cmpi slt, %select_n3A_180, %lt3A_186 : i32
    %ne3A_188 = arith.xori %lt3A_185, %lt3A_187 : i1
    %and3A_189 = arith.andi %ne3A_188, %ne3A_183 : i1
    %add3A_190 = arith.addi %rem3A_181, %select_n3A_180 : i32
    %select_n3A_191 = arith.select %and3A_189, %add3A_190, %rem3A_181 : i32
    %mul3A_192 = arith.constant 2 : i32
    %mul3A_193 = arith.muli %select_n3A_175, %mul3A_192 : i32
    %mul3A_194 = arith.constant 16 : i32
    %mul3A_195 = arith.muli %mul3A_193, %mul3A_194 : i32
    %add3A_196 = arith.addi %mul3A_195, %select_n3A_191 : i32
    %get3A_197 = arith.index_cast %add3A_196 : i32 to index
    %get3A_198 = memref.load %arg1[%get3A_197] : memref<512xf32, #tpu.memory_space<smem>>
    %mul3A_199 = arith.constant 2 : i32
    %mul3A_200 = arith.muli %select_n3A_175, %mul3A_199 : i32
    %mul3A_201 = arith.constant 16 : i32
    %mul3A_202 = arith.muli %mul3A_200, %mul3A_201 : i32
    %add3A_203 = arith.constant 16 : i32
    %add3A_204 = arith.addi %mul3A_202, %add3A_203 : i32
    %add3A_205 = arith.addi %add3A_204, %select_n3A_191 : i32
    %get3A_206 = arith.index_cast %add3A_205 : i32 to index
    %get3A_207 = memref.load %arg1[%get3A_206] : memref<512xf32, #tpu.memory_space<smem>>
    %get3A_208 = arith.constant 2 : index
    %get3A_209 = arith.constant 0 : index
    %get3A_210 = arith.constant 0 : index
    %get3A_211 = vector.load %arg2[%get3A_208, %get3A_209, %get3A_210] : memref<16x384x128xf32, #tpu.memory_space<vmem>>, vector<1x384x128xf32>
    %get3A_212 = vector.shape_cast %get3A_211 : vector<1x384x128xf32> to vector<384x128xf32>
    %mul3A_213 = vector.broadcast %get3A_198 : f32 to vector<384x128xf32>
    %mul3A_214 = arith.mulf %mul3A_213, %get3A_212 : vector<384x128xf32>
    %get3A_215 = arith.constant 2 : index
    %get3A_216 = arith.constant 0 : index
    %get3A_217 = arith.constant 0 : index
    %get3A_218 = vector.load %arg3[%get3A_215, %get3A_216, %get3A_217] : memref<16x384x128xf32, #tpu.memory_space<vmem>>, vector<1x384x128xf32>
    %get3A_219 = vector.shape_cast %get3A_218 : vector<1x384x128xf32> to vector<384x128xf32>
    %mul3A_220 = vector.broadcast %get3A_207 : f32 to vector<384x128xf32>
    %mul3A_221 = arith.mulf %mul3A_220, %get3A_219 : vector<384x128xf32>
    %add3A_222 = arith.addf %mul3A_214, %mul3A_221 : vector<384x128xf32>
    %swap3A_223 = arith.constant 2 : index
    %swap3A_224 = arith.constant 0 : index
    %swap3A_225 = arith.constant 0 : index
    %swap3A_226 = vector.load %arg4[%swap3A_223, %swap3A_224, %swap3A_225] : memref<16x384x128xf32, #tpu.memory_space<vmem>>, vector<1x384x128xf32>
    %swap3A_227 = vector.shape_cast %swap3A_226 : vector<1x384x128xf32> to vector<384x128xf32>
    %swap3A_228 = vector.shape_cast %add3A_222 : vector<384x128xf32> to vector<1x384x128xf32>
    tpu.vector_store %arg4[%swap3A_223, %swap3A_224, %swap3A_225], %swap3A_228 {strides = array<i32>} : memref<16x384x128xf32, #tpu.memory_space<vmem>>, vector<1x384x128xf32>,
    %mul3A_229 = arith.constant 16 : i32
    %mul3A_230 = arith.muli %arg0, %mul3A_229 : i32
    %add3A_231 = arith.constant 3 : i32
    %add3A_232 = arith.addi %mul3A_230, %add3A_231 : i32
    %jit3A_233 = arith.constant 16 : i32
    %div3A_234 = arith.divsi %add3A_232, %jit3A_233 : i32
    %sign3A_235 = arith.constant 0 : i32
    %sign3A_236 = arith.cmpi sgt, %add3A_232, %sign3A_235 : i32
    %sign3A_237 = arith.extui %sign3A_236 : i1 to i32
    %sign3A_238 = arith.constant 0 : i32
    %sign3A_239 = arith.cmpi slt, %add3A_232, %sign3A_238 : i32
    %sign3A_240 = arith.extui %sign3A_239 : i1 to i32
    %sign3A_241 = arith.subi %sign3A_237, %sign3A_240 : i32
    %sign3A_242 = arith.constant 0 : i32
    %sign3A_243 = arith.cmpi sgt, %jit3A_233, %sign3A_242 : i32
    %sign3A_244 = arith.extui %sign3A_243 : i1 to i32
    %sign3A_245 = arith.constant 0 : i32
    %sign3A_246 = arith.cmpi slt, %jit3A_233, %sign3A_245 : i32
    %sign3A_247 = arith.extui %sign3A_246 : i1 to i32
    %sign3A_248 = arith.subi %sign3A_244, %sign3A_247 : i32
    %ne3A_249 = arith.cmpi ne, %sign3A_241, %sign3A_248 : i32
    %rem3A_250 = arith.remsi %add3A_232, %jit3A_233 : i32
    %ne3A_251 = arith.constant 0 : i32
    %ne3A_252 = arith.cmpi ne, %rem3A_250, %ne3A_251 : i32
    %and3A_253 = arith.andi %ne3A_249, %ne3A_252 : i1
    %sub3A_254 = arith.constant 1 : i32
    %sub3A_255 = arith.subi %div3A_234, %sub3A_254 : i32
    %select_n3A_256 = arith.select %and3A_253, %sub3A_255, %div3A_234 : i32
    %jit3A_257 = arith.constant 16 : i32
    %eq3A_258 = arith.constant 0 : i32
    %eq3A_259 = arith.cmpi eq, %jit3A_257, %eq3A_258 : i32
    %jit3A_260 = arith.constant 1 : i32
    %select_n3A_261 = arith.select %eq3A_259, %jit3A_260, %jit3A_257 : i32
    %rem3A_262 = arith.remsi %add3A_232, %select_n3A_261 : i32
    %ne3A_263 = arith.constant 0 : i32
    %ne3A_264 = arith.cmpi ne, %rem3A_262, %ne3A_263 : i32
    %lt3A_265 = arith.constant 0 : i32
    %lt3A_266 = arith.cmpi slt, %rem3A_262, %lt3A_265 : i32
    %lt3A_267 = arith.constant 0 : i32
    %lt3A_268 = arith.cmpi slt, %select_n3A_261, %lt3A_267 : i32
    %ne3A_269 = arith.xori %lt3A_266, %lt3A_268 : i1
    %and3A_270 = arith.andi %ne3A_269, %ne3A_264 : i1
    %add3A_271 = arith.addi %rem3A_262, %select_n3A_261 : i32
    %select_n3A_272 = arith.select %and3A_270, %add3A_271, %rem3A_262 : i32
    %mul3A_273 = arith.constant 2 : i32
    %mul3A_274 = arith.muli %select_n3A_256, %mul3A_273 : i32
    %mul3A_275 = arith.constant 16 : i32
    %mul3A_276 = arith.muli %mul3A_274, %mul3A_275 : i32
    %add3A_277 = arith.addi %mul3A_276, %select_n3A_272 : i32
    %get3A_278 = arith.index_cast %add3A_277 : i32 to index
    %get3A_279 = memref.load %arg1[%get3A_278] : memref<512xf32, #tpu.memory_space<smem>>
    %mul3A_280 = arith.constant 2 : i32
    %mul3A_281 = arith.muli %select_n3A_256, %mul3A_280 : i32
    %mul3A_282 = arith.constant 16 : i32
    %mul3A_283 = arith.muli %mul3A_281, %mul3A_282 : i32
    %add3A_284 = arith.constant 16 : i32
    %add3A_285 = arith.addi %mul3A_283, %add3A_284 : i32
    %add3A_286 = arith.addi %add3A_285, %select_n3A_272 : i32
    %get3A_287 = arith.index_cast %add3A_286 : i32 to index
    %get3A_288 = memref.load %arg1[%get3A_287] : memref<512xf32, #tpu.memory_space<smem>>
    %get3A_289 = arith.constant 3 : index
    %get3A_290 = arith.constant 0 : index
    %get3A_291 = arith.constant 0 : index
    %get3A_292 = vector.load %arg2[%get3A_289, %get3A_290, %get3A_291] : memref<16x384x128xf32, #tpu.memory_space<vmem>>, vector<1x384x128xf32>
    %get3A_293 = vector.shape_cast %get3A_292 : vector<1x384x128xf32> to vector<384x128xf32>
    %mul3A_294 = vector.broadcast %get3A_279 : f32 to vector<384x128xf32>
    %mul3A_295 = arith.mulf %mul3A_294, %get3A_293 : vector<384x128xf32>
    %get3A_296 = arith.constant 3 : index
    %get3A_297 = arith.constant 0 : index
    %get3A_298 = arith.constant 0 : index
    %get3A_299 = vector.load %arg3[%get3A_296, %get3A_297, %get3A_298] : memref<16x384x128xf32, #tpu.memory_space<vmem>>, vector<1x384x128xf32>
    %get3A_300 = vector.shape_cast %get3A_299 : vector<1x384x128xf32> to vector<384x128xf32>
    %mul3A_301 = vector.broadcast %get3A_288 : f32 to vector<384x128xf32>
    %mul3A_302 = arith.mulf %mul3A_301, %get3A_300 : vector<384x128xf32>
    %add3A_303 = arith.addf %mul3A_295, %mul3A_302 : vector<384x128xf32>
    %swap3A_304 = arith.constant 3 : index
    %swap3A_305 = arith.constant 0 : index
    %swap3A_306 = arith.constant 0 : index
    %swap3A_307 = vector.load %arg4[%swap3A_304, %swap3A_305, %swap3A_306] : memref<16x384x128xf32, #tpu.memory_space<vmem>>, vector<1x384x128xf32>
    %swap3A_308 = vector.shape_cast %swap3A_307 : vector<1x384x128xf32> to vector<384x128xf32>
    %swap3A_309 = vector.shape_cast %add3A_303 : vector<384x128xf32> to vector<1x384x128xf32>
    tpu.vector_store %arg4[%swap3A_304, %swap3A_305, %swap3A_306], %swap3A_309 {strides = array<i32>} : memref<16x384x128xf32, #tpu.memory_space<vmem>>, vector<1x384x128xf32>,
    %mul3A_310 = arith.constant 16 : i32
    %mul3A_311 = arith.muli %arg0, %mul3A_310 : i32
    %add3A_312 = arith.constant 4 : i32
    %add3A_313 = arith.addi %mul3A_311, %add3A_312 : i32
    %jit3A_314 = arith.constant 16 : i32
    %div3A_315 = arith.divsi %add3A_313, %jit3A_314 : i32
    %sign3A_316 = arith.constant 0 : i32
    %sign3A_317 = arith.cmpi sgt, %add3A_313, %sign3A_316 : i32
    %sign3A_318 = arith.extui %sign3A_317 : i1 to i32
    %sign3A_319 = arith.constant 0 : i32
    %sign3A_320 = arith.cmpi slt, %add3A_313, %sign3A_319 : i32
    %sign3A_321 = arith.extui %sign3A_320 : i1 to i32
    %sign3A_322 = arith.subi %sign3A_318, %sign3A_321 : i32
    %sign3A_323 = arith.constant 0 : i32
    %sign3A_324 = arith.cmpi sgt, %jit3A_314, %sign3A_323 : i32
    %sign3A_325 = arith.extui %sign3A_324 : i1 to i32
    %sign3A_326 = arith.constant 0 : i32
    %sign3A_327 = arith.cmpi slt, %jit3A_314, %sign3A_326 : i32
    %sign3A_328 = arith.extui %sign3A_327 : i1 to i32
    %sign3A_329 = arith.subi %sign3A_325, %sign3A_328 : i32
    %ne3A_330 = arith.cmpi ne, %sign3A_322, %sign3A_329 : i32
    %rem3A_331 = arith.remsi %add3A_313, %jit3A_314 : i32
    %ne3A_332 = arith.constant 0 : i32
    %ne3A_333 = arith.cmpi ne, %rem3A_331, %ne3A_332 : i32
    %and3A_334 = arith.andi %ne3A_330, %ne3A_333 : i1
    %sub3A_335 = arith.constant 1 : i32
    %sub3A_336 = arith.subi %div3A_315, %sub3A_335 : i32
    %select_n3A_337 = arith.select %and3A_334, %sub3A_336, %div3A_315 : i32
    %jit3A_338 = arith.constant 16 : i32
    %eq3A_339 = arith.constant 0 : i32
    %eq3A_340 = arith.cmpi eq, %jit3A_338, %eq3A_339 : i32
    %jit3A_341 = arith.constant 1 : i32
    %select_n3A_342 = arith.select %eq3A_340, %jit3A_341, %jit3A_338 : i32
    %rem3A_343 = arith.remsi %add3A_313, %select_n3A_342 : i32
    %ne3A_344 = arith.constant 0 : i32
    %ne3A_345 = arith.cmpi ne, %rem3A_343, %ne3A_344 : i32
    %lt3A_346 = arith.constant 0 : i32
    %lt3A_347 = arith.cmpi slt, %rem3A_343, %lt3A_346 : i32
    %lt3A_348 = arith.constant 0 : i32
    %lt3A_349 = arith.cmpi slt, %select_n3A_342, %lt3A_348 : i32
    %ne3A_350 = arith.xori %lt3A_347, %lt3A_349 : i1
    %and3A_351 = arith.andi %ne3A_350, %ne3A_345 : i1
    %add3A_352 = arith.addi %rem3A_343, %select_n3A_342 : i32
    %select_n3A_353 = arith.select %and3A_351, %add3A_352, %rem3A_343 : i32
    %mul3A_354 = arith.constant 2 : i32
    %mul3A_355 = arith.muli %select_n3A_337, %mul3A_354 : i32
    %mul3A_356 = arith.constant 16 : i32
    %mul3A_357 = arith.muli %mul3A_355, %mul3A_356 : i32
    %add3A_358 = arith.addi %mul3A_357, %select_n3A_353 : i32
    %get3A_359 = arith.index_cast %add3A_358 : i32 to index
    %get3A_360 = memref.load %arg1[%get3A_359] : memref<512xf32, #tpu.memory_space<smem>>
    %mul3A_361 = arith.constant 2 : i32
    %mul3A_362 = arith.muli %select_n3A_337, %mul3A_361 : i32
    %mul3A_363 = arith.constant 16 : i32
    %mul3A_364 = arith.muli %mul3A_362, %mul3A_363 : i32
    %add3A_365 = arith.constant 16 : i32
    %add3A_366 = arith.addi %mul3A_364, %add3A_365 : i32
    %add3A_367 = arith.addi %add3A_366, %select_n3A_353 : i32
    %get3A_368 = arith.index_cast %add3A_367 : i32 to index
    %get3A_369 = memref.load %arg1[%get3A_368] : memref<512xf32, #tpu.memory_space<smem>>
    %get3A_370 = arith.constant 4 : index
    %get3A_371 = arith.constant 0 : index
    %get3A_372 = arith.constant 0 : index
    %get3A_373 = vector.load %arg2[%get3A_370, %get3A_371, %get3A_372] : memref<16x384x128xf32, #tpu.memory_space<vmem>>, vector<1x384x128xf32>
    %get3A_374 = vector.shape_cast %get3A_373 : vector<1x384x128xf32> to vector<384x128xf32>
    %mul3A_375 = vector.broadcast %get3A_360 : f32 to vector<384x128xf32>
    %mul3A_376 = arith.mulf %mul3A_375, %get3A_374 : vector<384x128xf32>
    %get3A_377 = arith.constant 4 : index
    %get3A_378 = arith.constant 0 : index
    %get3A_379 = arith.constant 0 : index
    %get3A_380 = vector.load %arg3[%get3A_377, %get3A_378, %get3A_379] : memref<16x384x128xf32, #tpu.memory_space<vmem>>, vector<1x384x128xf32>
    %get3A_381 = vector.shape_cast %get3A_380 : vector<1x384x128xf32> to vector<384x128xf32>
    %mul3A_382 = vector.broadcast %get3A_369 : f32 to vector<384x128xf32>
    %mul3A_383 = arith.mulf %mul3A_382, %get3A_381 : vector<384x128xf32>
    %add3A_384 = arith.addf %mul3A_376, %mul3A_383 : vector<384x128xf32>
    %swap3A_385 = arith.constant 4 : index
    %swap3A_386 = arith.constant 0 : index
    %swap3A_387 = arith.constant 0 : index
    %swap3A_388 = vector.load %arg4[%swap3A_385, %swap3A_386, %swap3A_387] : memref<16x384x128xf32, #tpu.memory_space<vmem>>, vector<1x384x128xf32>
    %swap3A_389 = vector.shape_cast %swap3A_388 : vector<1x384x128xf32> to vector<384x128xf32>
    %swap3A_390 = vector.shape_cast %add3A_384 : vector<384x128xf32> to vector<1x384x128xf32>
    tpu.vector_store %arg4[%swap3A_385, %swap3A_386, %swap3A_387], %swap3A_390 {strides = array<i32>} : memref<16x384x128xf32, #tpu.memory_space<vmem>>, vector<1x384x128xf32>,
    %mul3A_391 = arith.constant 16 : i32
    %mul3A_392 = arith.muli %arg0, %mul3A_391 : i32
    %add3A_393 = arith.constant 5 : i32
    %add3A_394 = arith.addi %mul3A_392, %add3A_393 : i32
    %jit3A_395 = arith.constant 16 : i32
    %div3A_396 = arith.divsi %add3A_394, %jit3A_395 : i32
    %sign3A_397 = arith.constant 0 : i32
    %sign3A_398 = arith.cmpi sgt, %add3A_394, %sign3A_397 : i32
    %sign3A_399 = arith.extui %sign3A_398 : i1 to i32
    %sign3A_400 = arith.constant 0 : i32
    %sign3A_401 = arith.cmpi slt, %add3A_394, %sign3A_400 : i32
    %sign3A_402 = arith.extui %sign3A_401 : i1 to i32
    %sign3A_403 = arith.subi %sign3A_399, %sign3A_402 : i32
    %sign3A_404 = arith.constant 0 : i32
    %sign3A_405 = arith.cmpi sgt, %jit3A_395, %sign3A_404 : i32
    %sign3A_406 = arith.extui %sign3A_405 : i1 to i32
    %sign3A_407 = arith.constant 0 : i32
    %sign3A_408 = arith.cmpi slt, %jit3A_395, %sign3A_407 : i32
    %sign3A_409 = arith.extui %sign3A_408 : i1 to i32
    %sign3A_410 = arith.subi %sign3A_406, %sign3A_409 : i32
    %ne3A_411 = arith.cmpi ne, %sign3A_403, %sign3A_410 : i32
    %rem3A_412 = arith.remsi %add3A_394, %jit3A_395 : i32
    %ne3A_413 = arith.constant 0 : i32
    %ne3A_414 = arith.cmpi ne, %rem3A_412, %ne3A_413 : i32
    %and3A_415 = arith.andi %ne3A_411, %ne3A_414 : i1
    %sub3A_416 = arith.constant 1 : i32
    %sub3A_417 = arith.subi %div3A_396, %sub3A_416 : i32
    %select_n3A_418 = arith.select %and3A_415, %sub3A_417, %div3A_396 : i32
    %jit3A_419 = arith.constant 16 : i32
    %eq3A_420 = arith.constant 0 : i32
    %eq3A_421 = arith.cmpi eq, %jit3A_419, %eq3A_420 : i32
    %jit3A_422 = arith.constant 1 : i32
    %select_n3A_423 = arith.select %eq3A_421, %jit3A_422, %jit3A_419 : i32
    %rem3A_424 = arith.remsi %add3A_394, %select_n3A_423 : i32
    %ne3A_425 = arith.constant 0 : i32
    %ne3A_426 = arith.cmpi ne, %rem3A_424, %ne3A_425 : i32
    %lt3A_427 = arith.constant 0 : i32
    %lt3A_428 = arith.cmpi slt, %rem3A_424, %lt3A_427 : i32
    %lt3A_429 = arith.constant 0 : i32
    %lt3A_430 = arith.cmpi slt, %select_n3A_423, %lt3A_429 : i32
    %ne3A_431 = arith.xori %lt3A_428, %lt3A_430 : i1
    %and3A_432 = arith.andi %ne3A_431, %ne3A_426 : i1
    %add3A_433 = arith.addi %rem3A_424, %select_n3A_423 : i32
    %select_n3A_434 = arith.select %and3A_432, %add3A_433, %rem3A_424 : i32
    %mul3A_435 = arith.constant 2 : i32
    %mul3A_436 = arith.muli %select_n3A_418, %mul3A_435 : i32
    %mul3A_437 = arith.constant 16 : i32
    %mul3A_438 = arith.muli %mul3A_436, %mul3A_437 : i32
    %add3A_439 = arith.addi %mul3A_438, %select_n3A_434 : i32
    %get3A_440 = arith.index_cast %add3A_439 : i32 to index
    %get3A_441 = memref.load %arg1[%get3A_440] : memref<512xf32, #tpu.memory_space<smem>>
    %mul3A_442 = arith.constant 2 : i32
    %mul3A_443 = arith.muli %select_n3A_418, %mul3A_442 : i32
    %mul3A_444 = arith.constant 16 : i32
    %mul3A_445 = arith.muli %mul3A_443, %mul3A_444 : i32
    %add3A_446 = arith.constant 16 : i32
    %add3A_447 = arith.addi %mul3A_445, %add3A_446 : i32
    %add3A_448 = arith.addi %add3A_447, %select_n3A_434 : i32
    %get3A_449 = arith.index_cast %add3A_448 : i32 to index
    %get3A_450 = memref.load %arg1[%get3A_449] : memref<512xf32, #tpu.memory_space<smem>>
    %get3A_451 = arith.constant 5 : index
    %get3A_452 = arith.constant 0 : index
    %get3A_453 = arith.constant 0 : index
    %get3A_454 = vector.load %arg2[%get3A_451, %get3A_452, %get3A_453] : memref<16x384x128xf32, #tpu.memory_space<vmem>>, vector<1x384x128xf32>
    %get3A_455 = vector.shape_cast %get3A_454 : vector<1x384x128xf32> to vector<384x128xf32>
    %mul3A_456 = vector.broadcast %get3A_441 : f32 to vector<384x128xf32>
    %mul3A_457 = arith.mulf %mul3A_456, %get3A_455 : vector<384x128xf32>
    %get3A_458 = arith.constant 5 : index
    %get3A_459 = arith.constant 0 : index
    %get3A_460 = arith.constant 0 : index
    %get3A_461 = vector.load %arg3[%get3A_458, %get3A_459, %get3A_460] : memref<16x384x128xf32, #tpu.memory_space<vmem>>, vector<1x384x128xf32>
    %get3A_462 = vector.shape_cast %get3A_461 : vector<1x384x128xf32> to vector<384x128xf32>
    %mul3A_463 = vector.broadcast %get3A_450 : f32 to vector<384x128xf32>
    %mul3A_464 = arith.mulf %mul3A_463, %get3A_462 : vector<384x128xf32>
    %add3A_465 = arith.addf %mul3A_457, %mul3A_464 : vector<384x128xf32>
    %swap3A_466 = arith.constant 5 : index
    %swap3A_467 = arith.constant 0 : index
    %swap3A_468 = arith.constant 0 : index
    %swap3A_469 = vector.load %arg4[%swap3A_466, %swap3A_467, %swap3A_468] : memref<16x384x128xf32, #tpu.memory_space<vmem>>, vector<1x384x128xf32>
    %swap3A_470 = vector.shape_cast %swap3A_469 : vector<1x384x128xf32> to vector<384x128xf32>
    %swap3A_471 = vector.shape_cast %add3A_465 : vector<384x128xf32> to vector<1x384x128xf32>
    tpu.vector_store %arg4[%swap3A_466, %swap3A_467, %swap3A_468], %swap3A_471 {strides = array<i32>} : memref<16x384x128xf32, #tpu.memory_space<vmem>>, vector<1x384x128xf32>,
    %mul3A_472 = arith.constant 16 : i32
    %mul3A_473 = arith.muli %arg0, %mul3A_472 : i32
    %add3A_474 = arith.constant 6 : i32
    %add3A_475 = arith.addi %mul3A_473, %add3A_474 : i32
    %jit3A_476 = arith.constant 16 : i32
    %div3A_477 = arith.divsi %add3A_475, %jit3A_476 : i32
    %sign3A_478 = arith.constant 0 : i32
    %sign3A_479 = arith.cmpi sgt, %add3A_475, %sign3A_478 : i32
    %sign3A_480 = arith.extui %sign3A_479 : i1 to i32
    %sign3A_481 = arith.constant 0 : i32
    %sign3A_482 = arith.cmpi slt, %add3A_475, %sign3A_481 : i32
    %sign3A_483 = arith.extui %sign3A_482 : i1 to i32
    %sign3A_484 = arith.subi %sign3A_480, %sign3A_483 : i32
    %sign3A_485 = arith.constant 0 : i32
    %sign3A_486 = arith.cmpi sgt, %jit3A_476, %sign3A_485 : i32
    %sign3A_487 = arith.extui %sign3A_486 : i1 to i32
    %sign3A_488 = arith.constant 0 : i32
    %sign3A_489 = arith.cmpi slt, %jit3A_476, %sign3A_488 : i32
    %sign3A_490 = arith.extui %sign3A_489 : i1 to i32
    %sign3A_491 = arith.subi %sign3A_487, %sign3A_490 : i32
    %ne3A_492 = arith.cmpi ne, %sign3A_484, %sign3A_491 : i32
    %rem3A_493 = arith.remsi %add3A_475, %jit3A_476 : i32
    %ne3A_494 = arith.constant 0 : i32
    %ne3A_495 = arith.cmpi ne, %rem3A_493, %ne3A_494 : i32
    %and3A_496 = arith.andi %ne3A_492, %ne3A_495 : i1
    %sub3A_497 = arith.constant 1 : i32
    %sub3A_498 = arith.subi %div3A_477, %sub3A_497 : i32
    %select_n3A_499 = arith.select %and3A_496, %sub3A_498, %div3A_477 : i32
    %jit3A_500 = arith.constant 16 : i32
    %eq3A_501 = arith.constant 0 : i32
    %eq3A_502 = arith.cmpi eq, %jit3A_500, %eq3A_501 : i32
    %jit3A_503 = arith.constant 1 : i32
    %select_n3A_504 = arith.select %eq3A_502, %jit3A_503, %jit3A_500 : i32
    %rem3A_505 = arith.remsi %add3A_475, %select_n3A_504 : i32
    %ne3A_506 = arith.constant 0 : i32
    %ne3A_507 = arith.cmpi ne, %rem3A_505, %ne3A_506 : i32
    %lt3A_508 = arith.constant 0 : i32
    %lt3A_509 = arith.cmpi slt, %rem3A_505, %lt3A_508 : i32
    %lt3A_510 = arith.constant 0 : i32
    %lt3A_511 = arith.cmpi slt, %select_n3A_504, %lt3A_510 : i32
    %ne3A_512 = arith.xori %lt3A_509, %lt3A_511 : i1
    %and3A_513 = arith.andi %ne3A_512, %ne3A_507 : i1
    %add3A_514 = arith.addi %rem3A_505, %select_n3A_504 : i32
    %select_n3A_515 = arith.select %and3A_513, %add3A_514, %rem3A_505 : i32
    %mul3A_516 = arith.constant 2 : i32
    %mul3A_517 = arith.muli %select_n3A_499, %mul3A_516 : i32
    %mul3A_518 = arith.constant 16 : i32
    %mul3A_519 = arith.muli %mul3A_517, %mul3A_518 : i32
    %add3A_520 = arith.addi %mul3A_519, %select_n3A_515 : i32
    %get3A_521 = arith.index_cast %add3A_520 : i32 to index
    %get3A_522 = memref.load %arg1[%get3A_521] : memref<512xf32, #tpu.memory_space<smem>>
    %mul3A_523 = arith.constant 2 : i32
    %mul3A_524 = arith.muli %select_n3A_499, %mul3A_523 : i32
    %mul3A_525 = arith.constant 16 : i32
    %mul3A_526 = arith.muli %mul3A_524, %mul3A_525 : i32
    %add3A_527 = arith.constant 16 : i32
    %add3A_528 = arith.addi %mul3A_526, %add3A_527 : i32
    %add3A_529 = arith.addi %add3A_528, %select_n3A_515 : i32
    %get3A_530 = arith.index_cast %add3A_529 : i32 to index
    %get3A_531 = memref.load %arg1[%get3A_530] : memref<512xf32, #tpu.memory_space<smem>>
    %get3A_532 = arith.constant 6 : index
    %get3A_533 = arith.constant 0 : index
    %get3A_534 = arith.constant 0 : index
    %get3A_535 = vector.load %arg2[%get3A_532, %get3A_533, %get3A_534] : memref<16x384x128xf32, #tpu.memory_space<vmem>>, vector<1x384x128xf32>
    %get3A_536 = vector.shape_cast %get3A_535 : vector<1x384x128xf32> to vector<384x128xf32>
    %mul3A_537 = vector.broadcast %get3A_522 : f32 to vector<384x128xf32>
    %mul3A_538 = arith.mulf %mul3A_537, %get3A_536 : vector<384x128xf32>
    %get3A_539 = arith.constant 6 : index
    %get3A_540 = arith.constant 0 : index
    %get3A_541 = arith.constant 0 : index
    %get3A_542 = vector.load %arg3[%get3A_539, %get3A_540, %get3A_541] : memref<16x384x128xf32, #tpu.memory_space<vmem>>, vector<1x384x128xf32>
    %get3A_543 = vector.shape_cast %get3A_542 : vector<1x384x128xf32> to vector<384x128xf32>
    %mul3A_544 = vector.broadcast %get3A_531 : f32 to vector<384x128xf32>
    %mul3A_545 = arith.mulf %mul3A_544, %get3A_543 : vector<384x128xf32>
    %add3A_546 = arith.addf %mul3A_538, %mul3A_545 : vector<384x128xf32>
    %swap3A_547 = arith.constant 6 : index
    %swap3A_548 = arith.constant 0 : index
    %swap3A_549 = arith.constant 0 : index
    %swap3A_550 = vector.load %arg4[%swap3A_547, %swap3A_548, %swap3A_549] : memref<16x384x128xf32, #tpu.memory_space<vmem>>, vector<1x384x128xf32>
    %swap3A_551 = vector.shape_cast %swap3A_550 : vector<1x384x128xf32> to vector<384x128xf32>
    %swap3A_552 = vector.shape_cast %add3A_546 : vector<384x128xf32> to vector<1x384x128xf32>
    tpu.vector_store %arg4[%swap3A_547, %swap3A_548, %swap3A_549], %swap3A_552 {strides = array<i32>} : memref<16x384x128xf32, #tpu.memory_space<vmem>>, vector<1x384x128xf32>,
    %mul3A_553 = arith.constant 16 : i32
    %mul3A_554 = arith.muli %arg0, %mul3A_553 : i32
    %add3A_555 = arith.constant 7 : i32
    %add3A_556 = arith.addi %mul3A_554, %add3A_555 : i32
    %jit3A_557 = arith.constant 16 : i32
    %div3A_558 = arith.divsi %add3A_556, %jit3A_557 : i32
    %sign3A_559 = arith.constant 0 : i32
    %sign3A_560 = arith.cmpi sgt, %add3A_556, %sign3A_559 : i32
    %sign3A_561 = arith.extui %sign3A_560 : i1 to i32
    %sign3A_562 = arith.constant 0 : i32
    %sign3A_563 = arith.cmpi slt, %add3A_556, %sign3A_562 : i32
    %sign3A_564 = arith.extui %sign3A_563 : i1 to i32
    %sign3A_565 = arith.subi %sign3A_561, %sign3A_564 : i32
    %sign3A_566 = arith.constant 0 : i32
    %sign3A_567 = arith.cmpi sgt, %jit3A_557, %sign3A_566 : i32
    %sign3A_568 = arith.extui %sign3A_567 : i1 to i32
    %sign3A_569 = arith.constant 0 : i32
    %sign3A_570 = arith.cmpi slt, %jit3A_557, %sign3A_569 : i32
    %sign3A_571 = arith.extui %sign3A_570 : i1 to i32
    %sign3A_572 = arith.subi %sign3A_568, %sign3A_571 : i32
    %ne3A_573 = arith.cmpi ne, %sign3A_565, %sign3A_572 : i32
    %rem3A_574 = arith.remsi %add3A_556, %jit3A_557 : i32
    %ne3A_575 = arith.constant 0 : i32
    %ne3A_576 = arith.cmpi ne, %rem3A_574, %ne3A_575 : i32
    %and3A_577 = arith.andi %ne3A_573, %ne3A_576 : i1
    %sub3A_578 = arith.constant 1 : i32
    %sub3A_579 = arith.subi %div3A_558, %sub3A_578 : i32
    %select_n3A_580 = arith.select %and3A_577, %sub3A_579, %div3A_558 : i32
    %jit3A_581 = arith.constant 16 : i32
    %eq3A_582 = arith.constant 0 : i32
    %eq3A_583 = arith.cmpi eq, %jit3A_581, %eq3A_582 : i32
    %jit3A_584 = arith.constant 1 : i32
    %select_n3A_585 = arith.select %eq3A_583, %jit3A_584, %jit3A_581 : i32
    %rem3A_586 = arith.remsi %add3A_556, %select_n3A_585 : i32
    %ne3A_587 = arith.constant 0 : i32
    %ne3A_588 = arith.cmpi ne, %rem3A_586, %ne3A_587 : i32
    %lt3A_589 = arith.constant 0 : i32
    %lt3A_590 = arith.cmpi slt, %rem3A_586, %lt3A_589 : i32
    %lt3A_591 = arith.constant 0 : i32
    %lt3A_592 = arith.cmpi slt, %select_n3A_585, %lt3A_591 : i32
    %ne3A_593 = arith.xori %lt3A_590, %lt3A_592 : i1
    %and3A_594 = arith.andi %ne3A_593, %ne3A_588 : i1
    %add3A_595 = arith.addi %rem3A_586, %select_n3A_585 : i32
    %select_n3A_596 = arith.select %and3A_594, %add3A_595, %rem3A_586 : i32
    %mul3A_597 = arith.constant 2 : i32
    %mul3A_598 = arith.muli %select_n3A_580, %mul3A_597 : i32
    %mul3A_599 = arith.constant 16 : i32
    %mul3A_600 = arith.muli %mul3A_598, %mul3A_599 : i32
    %add3A_601 = arith.addi %mul3A_600, %select_n3A_596 : i32
    %get3A_602 = arith.index_cast %add3A_601 : i32 to index
    %get3A_603 = memref.load %arg1[%get3A_602] : memref<512xf32, #tpu.memory_space<smem>>
    %mul3A_604 = arith.constant 2 : i32
    %mul3A_605 = arith.muli %select_n3A_580, %mul3A_604 : i32
    %mul3A_606 = arith.constant 16 : i32
    %mul3A_607 = arith.muli %mul3A_605, %mul3A_606 : i32
    %add3A_608 = arith.constant 16 : i32
    %add3A_609 = arith.addi %mul3A_607, %add3A_608 : i32
    %add3A_610 = arith.addi %add3A_609, %select_n3A_596 : i32
    %get3A_611 = arith.index_cast %add3A_610 : i32 to index
    %get3A_612 = memref.load %arg1[%get3A_611] : memref<512xf32, #tpu.memory_space<smem>>
    %get3A_613 = arith.constant 7 : index
    %get3A_614 = arith.constant 0 : index
    %get3A_615 = arith.constant 0 : index
    %get3A_616 = vector.load %arg2[%get3A_613, %get3A_614, %get3A_615] : memref<16x384x128xf32, #tpu.memory_space<vmem>>, vector<1x384x128xf32>
    %get3A_617 = vector.shape_cast %get3A_616 : vector<1x384x128xf32> to vector<384x128xf32>
    %mul3A_618 = vector.broadcast %get3A_603 : f32 to vector<384x128xf32>
    %mul3A_619 = arith.mulf %mul3A_618, %get3A_617 : vector<384x128xf32>
    %get3A_620 = arith.constant 7 : index
    %get3A_621 = arith.constant 0 : index
    %get3A_622 = arith.constant 0 : index
    %get3A_623 = vector.load %arg3[%get3A_620, %get3A_621, %get3A_622] : memref<16x384x128xf32, #tpu.memory_space<vmem>>, vector<1x384x128xf32>
    %get3A_624 = vector.shape_cast %get3A_623 : vector<1x384x128xf32> to vector<384x128xf32>
    %mul3A_625 = vector.broadcast %get3A_612 : f32 to vector<384x128xf32>
    %mul3A_626 = arith.mulf %mul3A_625, %get3A_624 : vector<384x128xf32>
    %add3A_627 = arith.addf %mul3A_619, %mul3A_626 : vector<384x128xf32>
    %swap3A_628 = arith.constant 7 : index
    %swap3A_629 = arith.constant 0 : index
    %swap3A_630 = arith.constant 0 : index
    %swap3A_631 = vector.load %arg4[%swap3A_628, %swap3A_629, %swap3A_630] : memref<16x384x128xf32, #tpu.memory_space<vmem>>, vector<1x384x128xf32>
    %swap3A_632 = vector.shape_cast %swap3A_631 : vector<1x384x128xf32> to vector<384x128xf32>
    %swap3A_633 = vector.shape_cast %add3A_627 : vector<384x128xf32> to vector<1x384x128xf32>
    tpu.vector_store %arg4[%swap3A_628, %swap3A_629, %swap3A_630], %swap3A_633 {strides = array<i32>} : memref<16x384x128xf32, #tpu.memory_space<vmem>>, vector<1x384x128xf32>,
    %mul3A_634 = arith.constant 16 : i32
    %mul3A_635 = arith.muli %arg0, %mul3A_634 : i32
    %add3A_636 = arith.constant 8 : i32
    %add3A_637 = arith.addi %mul3A_635, %add3A_636 : i32
    %jit3A_638 = arith.constant 16 : i32
    %div3A_639 = arith.divsi %add3A_637, %jit3A_638 : i32
    %sign3A_640 = arith.constant 0 : i32
    %sign3A_641 = arith.cmpi sgt, %add3A_637, %sign3A_640 : i32
    %sign3A_642 = arith.extui %sign3A_641 : i1 to i32
    %sign3A_643 = arith.constant 0 : i32
    %sign3A_644 = arith.cmpi slt, %add3A_637, %sign3A_643 : i32
    %sign3A_645 = arith.extui %sign3A_644 : i1 to i32
    %sign3A_646 = arith.subi %sign3A_642, %sign3A_645 : i32
    %sign3A_647 = arith.constant 0 : i32
    %sign3A_648 = arith.cmpi sgt, %jit3A_638, %sign3A_647 : i32
    %sign3A_649 = arith.extui %sign3A_648 : i1 to i32
    %sign3A_650 = arith.constant 0 : i32
    %sign3A_651 = arith.cmpi slt, %jit3A_638, %sign3A_650 : i32
    %sign3A_652 = arith.extui %sign3A_651 : i1 to i32
    %sign3A_653 = arith.subi %sign3A_649, %sign3A_652 : i32
    %ne3A_654 = arith.cmpi ne, %sign3A_646, %sign3A_653 : i32
    %rem3A_655 = arith.remsi %add3A_637, %jit3A_638 : i32
    %ne3A_656 = arith.constant 0 : i32
    %ne3A_657 = arith.cmpi ne, %rem3A_655, %ne3A_656 : i32
    %and3A_658 = arith.andi %ne3A_654, %ne3A_657 : i1
    %sub3A_659 = arith.constant 1 : i32
    %sub3A_660 = arith.subi %div3A_639, %sub3A_659 : i32
    %select_n3A_661 = arith.select %and3A_658, %sub3A_660, %div3A_639 : i32
    %jit3A_662 = arith.constant 16 : i32
    %eq3A_663 = arith.constant 0 : i32
    %eq3A_664 = arith.cmpi eq, %jit3A_662, %eq3A_663 : i32
    %jit3A_665 = arith.constant 1 : i32
    %select_n3A_666 = arith.select %eq3A_664, %jit3A_665, %jit3A_662 : i32
    %rem3A_667 = arith.remsi %add3A_637, %select_n3A_666 : i32
    %ne3A_668 = arith.constant 0 : i32
    %ne3A_669 = arith.cmpi ne, %rem3A_667, %ne3A_668 : i32
    %lt3A_670 = arith.constant 0 : i32
    %lt3A_671 = arith.cmpi slt, %rem3A_667, %lt3A_670 : i32
    %lt3A_672 = arith.constant 0 : i32
    %lt3A_673 = arith.cmpi slt, %select_n3A_666, %lt3A_672 : i32
    %ne3A_674 = arith.xori %lt3A_671, %lt3A_673 : i1
    %and3A_675 = arith.andi %ne3A_674, %ne3A_669 : i1
    %add3A_676 = arith.addi %rem3A_667, %select_n3A_666 : i32
    %select_n3A_677 = arith.select %and3A_675, %add3A_676, %rem3A_667 : i32
    %mul3A_678 = arith.constant 2 : i32
    %mul3A_679 = arith.muli %select_n3A_661, %mul3A_678 : i32
    %mul3A_680 = arith.constant 16 : i32
    %mul3A_681 = arith.muli %mul3A_679, %mul3A_680 : i32
    %add3A_682 = arith.addi %mul3A_681, %select_n3A_677 : i32
    %get3A_683 = arith.index_cast %add3A_682 : i32 to index
    %get3A_684 = memref.load %arg1[%get3A_683] : memref<512xf32, #tpu.memory_space<smem>>
    %mul3A_685 = arith.constant 2 : i32
    %mul3A_686 = arith.muli %select_n3A_661, %mul3A_685 : i32
    %mul3A_687 = arith.constant 16 : i32
    %mul3A_688 = arith.muli %mul3A_686, %mul3A_687 : i32
    %add3A_689 = arith.constant 16 : i32
    %add3A_690 = arith.addi %mul3A_688, %add3A_689 : i32
    %add3A_691 = arith.addi %add3A_690, %select_n3A_677 : i32
    %get3A_692 = arith.index_cast %add3A_691 : i32 to index
    %get3A_693 = memref.load %arg1[%get3A_692] : memref<512xf32, #tpu.memory_space<smem>>
    %get3A_694 = arith.constant 8 : index
    %get3A_695 = arith.constant 0 : index
    %get3A_696 = arith.constant 0 : index
    %get3A_697 = vector.load %arg2[%get3A_694, %get3A_695, %get3A_696] : memref<16x384x128xf32, #tpu.memory_space<vmem>>, vector<1x384x128xf32>
    %get3A_698 = vector.shape_cast %get3A_697 : vector<1x384x128xf32> to vector<384x128xf32>
    %mul3A_699 = vector.broadcast %get3A_684 : f32 to vector<384x128xf32>
    %mul3A_700 = arith.mulf %mul3A_699, %get3A_698 : vector<384x128xf32>
    %get3A_701 = arith.constant 8 : index
    %get3A_702 = arith.constant 0 : index
    %get3A_703 = arith.constant 0 : index
    %get3A_704 = vector.load %arg3[%get3A_701, %get3A_702, %get3A_703] : memref<16x384x128xf32, #tpu.memory_space<vmem>>, vector<1x384x128xf32>
    %get3A_705 = vector.shape_cast %get3A_704 : vector<1x384x128xf32> to vector<384x128xf32>
    %mul3A_706 = vector.broadcast %get3A_693 : f32 to vector<384x128xf32>
    %mul3A_707 = arith.mulf %mul3A_706, %get3A_705 : vector<384x128xf32>
    %add3A_708 = arith.addf %mul3A_700, %mul3A_707 : vector<384x128xf32>
    %swap3A_709 = arith.constant 8 : index
    %swap3A_710 = arith.constant 0 : index
    %swap3A_711 = arith.constant 0 : index
    %swap3A_712 = vector.load %arg4[%swap3A_709, %swap3A_710, %swap3A_711] : memref<16x384x128xf32, #tpu.memory_space<vmem>>, vector<1x384x128xf32>
    %swap3A_713 = vector.shape_cast %swap3A_712 : vector<1x384x128xf32> to vector<384x128xf32>
    %swap3A_714 = vector.shape_cast %add3A_708 : vector<384x128xf32> to vector<1x384x128xf32>
    tpu.vector_store %arg4[%swap3A_709, %swap3A_710, %swap3A_711], %swap3A_714 {strides = array<i32>} : memref<16x384x128xf32, #tpu.memory_space<vmem>>, vector<1x384x128xf32>,
    %mul3A_715 = arith.constant 16 : i32
    %mul3A_716 = arith.muli %arg0, %mul3A_715 : i32
    %add3A_717 = arith.constant 9 : i32
    %add3A_718 = arith.addi %mul3A_716, %add3A_717 : i32
    %jit3A_719 = arith.constant 16 : i32
    %div3A_720 = arith.divsi %add3A_718, %jit3A_719 : i32
    %sign3A_721 = arith.constant 0 : i32
    %sign3A_722 = arith.cmpi sgt, %add3A_718, %sign3A_721 : i32
    %sign3A_723 = arith.extui %sign3A_722 : i1 to i32
    %sign3A_724 = arith.constant 0 : i32
    %sign3A_725 = arith.cmpi slt, %add3A_718, %sign3A_724 : i32
    %sign3A_726 = arith.extui %sign3A_725 : i1 to i32
    %sign3A_727 = arith.subi %sign3A_723, %sign3A_726 : i32
    %sign3A_728 = arith.constant 0 : i32
    %sign3A_729 = arith.cmpi sgt, %jit3A_719, %sign3A_728 : i32
    %sign3A_730 = arith.extui %sign3A_729 : i1 to i32
    %sign3A_731 = arith.constant 0 : i32
    %sign3A_732 = arith.cmpi slt, %jit3A_719, %sign3A_731 : i32
    %sign3A_733 = arith.extui %sign3A_732 : i1 to i32
    %sign3A_734 = arith.subi %sign3A_730, %sign3A_733 : i32
    %ne3A_735 = arith.cmpi ne, %sign3A_727, %sign3A_734 : i32
    %rem3A_736 = arith.remsi %add3A_718, %jit3A_719 : i32
    %ne3A_737 = arith.constant 0 : i32
    %ne3A_738 = arith.cmpi ne, %rem3A_736, %ne3A_737 : i32
    %and3A_739 = arith.andi %ne3A_735, %ne3A_738 : i1
    %sub3A_740 = arith.constant 1 : i32
    %sub3A_741 = arith.subi %div3A_720, %sub3A_740 : i32
    %select_n3A_742 = arith.select %and3A_739, %sub3A_741, %div3A_720 : i32
    %jit3A_743 = arith.constant 16 : i32
    %eq3A_744 = arith.constant 0 : i32
    %eq3A_745 = arith.cmpi eq, %jit3A_743, %eq3A_744 : i32
    %jit3A_746 = arith.constant 1 : i32
    %select_n3A_747 = arith.select %eq3A_745, %jit3A_746, %jit3A_743 : i32
    %rem3A_748 = arith.remsi %add3A_718, %select_n3A_747 : i32
    %ne3A_749 = arith.constant 0 : i32
    %ne3A_750 = arith.cmpi ne, %rem3A_748, %ne3A_749 : i32
    %lt3A_751 = arith.constant 0 : i32
    %lt3A_752 = arith.cmpi slt, %rem3A_748, %lt3A_751 : i32
    %lt3A_753 = arith.constant 0 : i32
    %lt3A_754 = arith.cmpi slt, %select_n3A_747, %lt3A_753 : i32
    %ne3A_755 = arith.xori %lt3A_752, %lt3A_754 : i1
    %and3A_756 = arith.andi %ne3A_755, %ne3A_750 : i1
    %add3A_757 = arith.addi %rem3A_748, %select_n3A_747 : i32
    %select_n3A_758 = arith.select %and3A_756, %add3A_757, %rem3A_748 : i32
    %mul3A_759 = arith.constant 2 : i32
    %mul3A_760 = arith.muli %select_n3A_742, %mul3A_759 : i32
    %mul3A_761 = arith.constant 16 : i32
    %mul3A_762 = arith.muli %mul3A_760, %mul3A_761 : i32
    %add3A_763 = arith.addi %mul3A_762, %select_n3A_758 : i32
    %get3A_764 = arith.index_cast %add3A_763 : i32 to index
    %get3A_765 = memref.load %arg1[%get3A_764] : memref<512xf32, #tpu.memory_space<smem>>
    %mul3A_766 = arith.constant 2 : i32
    %mul3A_767 = arith.muli %select_n3A_742, %mul3A_766 : i32
    %mul3A_768 = arith.constant 16 : i32
    %mul3A_769 = arith.muli %mul3A_767, %mul3A_768 : i32
    %add3A_770 = arith.constant 16 : i32
    %add3A_771 = arith.addi %mul3A_769, %add3A_770 : i32
    %add3A_772 = arith.addi %add3A_771, %select_n3A_758 : i32
    %get3A_773 = arith.index_cast %add3A_772 : i32 to index
    %get3A_774 = memref.load %arg1[%get3A_773] : memref<512xf32, #tpu.memory_space<smem>>
    %get3A_775 = arith.constant 9 : index
    %get3A_776 = arith.constant 0 : index
    %get3A_777 = arith.constant 0 : index
    %get3A_778 = vector.load %arg2[%get3A_775, %get3A_776, %get3A_777] : memref<16x384x128xf32, #tpu.memory_space<vmem>>, vector<1x384x128xf32>
    %get3A_779 = vector.shape_cast %get3A_778 : vector<1x384x128xf32> to vector<384x128xf32>
    %mul3A_780 = vector.broadcast %get3A_765 : f32 to vector<384x128xf32>
    %mul3A_781 = arith.mulf %mul3A_780, %get3A_779 : vector<384x128xf32>
    %get3A_782 = arith.constant 9 : index
    %get3A_783 = arith.constant 0 : index
    %get3A_784 = arith.constant 0 : index
    %get3A_785 = vector.load %arg3[%get3A_782, %get3A_783, %get3A_784] : memref<16x384x128xf32, #tpu.memory_space<vmem>>, vector<1x384x128xf32>
    %get3A_786 = vector.shape_cast %get3A_785 : vector<1x384x128xf32> to vector<384x128xf32>
    %mul3A_787 = vector.broadcast %get3A_774 : f32 to vector<384x128xf32>
    %mul3A_788 = arith.mulf %mul3A_787, %get3A_786 : vector<384x128xf32>
    %add3A_789 = arith.addf %mul3A_781, %mul3A_788 : vector<384x128xf32>
    %swap3A_790 = arith.constant 9 : index
    %swap3A_791 = arith.constant 0 : index
    %swap3A_792 = arith.constant 0 : index
    %swap3A_793 = vector.load %arg4[%swap3A_790, %swap3A_791, %swap3A_792] : memref<16x384x128xf32, #tpu.memory_space<vmem>>, vector<1x384x128xf32>
    %swap3A_794 = vector.shape_cast %swap3A_793 : vector<1x384x128xf32> to vector<384x128xf32>
    %swap3A_795 = vector.shape_cast %add3A_789 : vector<384x128xf32> to vector<1x384x128xf32>
    tpu.vector_store %arg4[%swap3A_790, %swap3A_791, %swap3A_792], %swap3A_795 {strides = array<i32>} : memref<16x384x128xf32, #tpu.memory_space<vmem>>, vector<1x384x128xf32>,
    %mul3A_796 = arith.constant 16 : i32
    %mul3A_797 = arith.muli %arg0, %mul3A_796 : i32
    %add3A_798 = arith.constant 10 : i32
    %add3A_799 = arith.addi %mul3A_797, %add3A_798 : i32
    %jit3A_800 = arith.constant 16 : i32
    %div3A_801 = arith.divsi %add3A_799, %jit3A_800 : i32
    %sign3A_802 = arith.constant 0 : i32
    %sign3A_803 = arith.cmpi sgt, %add3A_799, %sign3A_802 : i32
    %sign3A_804 = arith.extui %sign3A_803 : i1 to i32
    %sign3A_805 = arith.constant 0 : i32
    %sign3A_806 = arith.cmpi slt, %add3A_799, %sign3A_805 : i32
    %sign3A_807 = arith.extui %sign3A_806 : i1 to i32
    %sign3A_808 = arith.subi %sign3A_804, %sign3A_807 : i32
    %sign3A_809 = arith.constant 0 : i32
    %sign3A_810 = arith.cmpi sgt, %jit3A_800, %sign3A_809 : i32
    %sign3A_811 = arith.extui %sign3A_810 : i1 to i32
    %sign3A_812 = arith.constant 0 : i32
    %sign3A_813 = arith.cmpi slt, %jit3A_800, %sign3A_812 : i32
    %sign3A_814 = arith.extui %sign3A_813 : i1 to i32
    %sign3A_815 = arith.subi %sign3A_811, %sign3A_814 : i32
    %ne3A_816 = arith.cmpi ne, %sign3A_808, %sign3A_815 : i32
    %rem3A_817 = arith.remsi %add3A_799, %jit3A_800 : i32
    %ne3A_818 = arith.constant 0 : i32
    %ne3A_819 = arith.cmpi ne, %rem3A_817, %ne3A_818 : i32
    %and3A_820 = arith.andi %ne3A_816, %ne3A_819 : i1
    %sub3A_821 = arith.constant 1 : i32
    %sub3A_822 = arith.subi %div3A_801, %sub3A_821 : i32
    %select_n3A_823 = arith.select %and3A_820, %sub3A_822, %div3A_801 : i32
    %jit3A_824 = arith.constant 16 : i32
    %eq3A_825 = arith.constant 0 : i32
    %eq3A_826 = arith.cmpi eq, %jit3A_824, %eq3A_825 : i32
    %jit3A_827 = arith.constant 1 : i32
    %select_n3A_828 = arith.select %eq3A_826, %jit3A_827, %jit3A_824 : i32
    %rem3A_829 = arith.remsi %add3A_799, %select_n3A_828 : i32
    %ne3A_830 = arith.constant 0 : i32
    %ne3A_831 = arith.cmpi ne, %rem3A_829, %ne3A_830 : i32
    %lt3A_832 = arith.constant 0 : i32
    %lt3A_833 = arith.cmpi slt, %rem3A_829, %lt3A_832 : i32
    %lt3A_834 = arith.constant 0 : i32
    %lt3A_835 = arith.cmpi slt, %select_n3A_828, %lt3A_834 : i32
    %ne3A_836 = arith.xori %lt3A_833, %lt3A_835 : i1
    %and3A_837 = arith.andi %ne3A_836, %ne3A_831 : i1
    %add3A_838 = arith.addi %rem3A_829, %select_n3A_828 : i32
    %select_n3A_839 = arith.select %and3A_837, %add3A_838, %rem3A_829 : i32
    %mul3A_840 = arith.constant 2 : i32
    %mul3A_841 = arith.muli %select_n3A_823, %mul3A_840 : i32
    %mul3A_842 = arith.constant 16 : i32
    %mul3A_843 = arith.muli %mul3A_841, %mul3A_842 : i32
    %add3A_844 = arith.addi %mul3A_843, %select_n3A_839 : i32
    %get3A_845 = arith.index_cast %add3A_844 : i32 to index
    %get3A_846 = memref.load %arg1[%get3A_845] : memref<512xf32, #tpu.memory_space<smem>>
    %mul3A_847 = arith.constant 2 : i32
    %mul3A_848 = arith.muli %select_n3A_823, %mul3A_847 : i32
    %mul3A_849 = arith.constant 16 : i32
    %mul3A_850 = arith.muli %mul3A_848, %mul3A_849 : i32
    %add3A_851 = arith.constant 16 : i32
    %add3A_852 = arith.addi %mul3A_850, %add3A_851 : i32
    %add3A_853 = arith.addi %add3A_852, %select_n3A_839 : i32
    %get3A_854 = arith.index_cast %add3A_853 : i32 to index
    %get3A_855 = memref.load %arg1[%get3A_854] : memref<512xf32, #tpu.memory_space<smem>>
    %get3A_856 = arith.constant 10 : index
    %get3A_857 = arith.constant 0 : index
    %get3A_858 = arith.constant 0 : index
    %get3A_859 = vector.load %arg2[%get3A_856, %get3A_857, %get3A_858] : memref<16x384x128xf32, #tpu.memory_space<vmem>>, vector<1x384x128xf32>
    %get3A_860 = vector.shape_cast %get3A_859 : vector<1x384x128xf32> to vector<384x128xf32>
    %mul3A_861 = vector.broadcast %get3A_846 : f32 to vector<384x128xf32>
    %mul3A_862 = arith.mulf %mul3A_861, %get3A_860 : vector<384x128xf32>
    %get3A_863 = arith.constant 10 : index
    %get3A_864 = arith.constant 0 : index
    %get3A_865 = arith.constant 0 : index
    %get3A_866 = vector.load %arg3[%get3A_863, %get3A_864, %get3A_865] : memref<16x384x128xf32, #tpu.memory_space<vmem>>, vector<1x384x128xf32>
    %get3A_867 = vector.shape_cast %get3A_866 : vector<1x384x128xf32> to vector<384x128xf32>
    %mul3A_868 = vector.broadcast %get3A_855 : f32 to vector<384x128xf32>
    %mul3A_869 = arith.mulf %mul3A_868, %get3A_867 : vector<384x128xf32>
    %add3A_870 = arith.addf %mul3A_862, %mul3A_869 : vector<384x128xf32>
    %swap3A_871 = arith.constant 10 : index
    %swap3A_872 = arith.constant 0 : index
    %swap3A_873 = arith.constant 0 : index
    %swap3A_874 = vector.load %arg4[%swap3A_871, %swap3A_872, %swap3A_873] : memref<16x384x128xf32, #tpu.memory_space<vmem>>, vector<1x384x128xf32>
    %swap3A_875 = vector.shape_cast %swap3A_874 : vector<1x384x128xf32> to vector<384x128xf32>
    %swap3A_876 = vector.shape_cast %add3A_870 : vector<384x128xf32> to vector<1x384x128xf32>
    tpu.vector_store %arg4[%swap3A_871, %swap3A_872, %swap3A_873], %swap3A_876 {strides = array<i32>} : memref<16x384x128xf32, #tpu.memory_space<vmem>>, vector<1x384x128xf32>,
    %mul3A_877 = arith.constant 16 : i32
    %mul3A_878 = arith.muli %arg0, %mul3A_877 : i32
    %add3A_879 = arith.constant 11 : i32
    %add3A_880 = arith.addi %mul3A_878, %add3A_879 : i32
    %jit3A_881 = arith.constant 16 : i32
    %div3A_882 = arith.divsi %add3A_880, %jit3A_881 : i32
    %sign3A_883 = arith.constant 0 : i32
    %sign3A_884 = arith.cmpi sgt, %add3A_880, %sign3A_883 : i32
    %sign3A_885 = arith.extui %sign3A_884 : i1 to i32
    %sign3A_886 = arith.constant 0 : i32
    %sign3A_887 = arith.cmpi slt, %add3A_880, %sign3A_886 : i32
    %sign3A_888 = arith.extui %sign3A_887 : i1 to i32
    %sign3A_889 = arith.subi %sign3A_885, %sign3A_888 : i32
    %sign3A_890 = arith.constant 0 : i32
    %sign3A_891 = arith.cmpi sgt, %jit3A_881, %sign3A_890 : i32
    %sign3A_892 = arith.extui %sign3A_891 : i1 to i32
    %sign3A_893 = arith.constant 0 : i32
    %sign3A_894 = arith.cmpi slt, %jit3A_881, %sign3A_893 : i32
    %sign3A_895 = arith.extui %sign3A_894 : i1 to i32
    %sign3A_896 = arith.subi %sign3A_892, %sign3A_895 : i32
    %ne3A_897 = arith.cmpi ne, %sign3A_889, %sign3A_896 : i32
    %rem3A_898 = arith.remsi %add3A_880, %jit3A_881 : i32
    %ne3A_899 = arith.constant 0 : i32
    %ne3A_900 = arith.cmpi ne, %rem3A_898, %ne3A_899 : i32
    %and3A_901 = arith.andi %ne3A_897, %ne3A_900 : i1
    %sub3A_902 = arith.constant 1 : i32
    %sub3A_903 = arith.subi %div3A_882, %sub3A_902 : i32
    %select_n3A_904 = arith.select %and3A_901, %sub3A_903, %div3A_882 : i32
    %jit3A_905 = arith.constant 16 : i32
    %eq3A_906 = arith.constant 0 : i32
    %eq3A_907 = arith.cmpi eq, %jit3A_905, %eq3A_906 : i32
    %jit3A_908 = arith.constant 1 : i32
    %select_n3A_909 = arith.select %eq3A_907, %jit3A_908, %jit3A_905 : i32
    %rem3A_910 = arith.remsi %add3A_880, %select_n3A_909 : i32
    %ne3A_911 = arith.constant 0 : i32
    %ne3A_912 = arith.cmpi ne, %rem3A_910, %ne3A_911 : i32
    %lt3A_913 = arith.constant 0 : i32
    %lt3A_914 = arith.cmpi slt, %rem3A_910, %lt3A_913 : i32
    %lt3A_915 = arith.constant 0 : i32
    %lt3A_916 = arith.cmpi slt, %select_n3A_909, %lt3A_915 : i32
    %ne3A_917 = arith.xori %lt3A_914, %lt3A_916 : i1
    %and3A_918 = arith.andi %ne3A_917, %ne3A_912 : i1
    %add3A_919 = arith.addi %rem3A_910, %select_n3A_909 : i32
    %select_n3A_920 = arith.select %and3A_918, %add3A_919, %rem3A_910 : i32
    %mul3A_921 = arith.constant 2 : i32
    %mul3A_922 = arith.muli %select_n3A_904, %mul3A_921 : i32
    %mul3A_923 = arith.constant 16 : i32
    %mul3A_924 = arith.muli %mul3A_922, %mul3A_923 : i32
    %add3A_925 = arith.addi %mul3A_924, %select_n3A_920 : i32
    %get3A_926 = arith.index_cast %add3A_925 : i32 to index
    %get3A_927 = memref.load %arg1[%get3A_926] : memref<512xf32, #tpu.memory_space<smem>>
    %mul3A_928 = arith.constant 2 : i32
    %mul3A_929 = arith.muli %select_n3A_904, %mul3A_928 : i32
    %mul3A_930 = arith.constant 16 : i32
    %mul3A_931 = arith.muli %mul3A_929, %mul3A_930 : i32
    %add3A_932 = arith.constant 16 : i32
    %add3A_933 = arith.addi %mul3A_931, %add3A_932 : i32
    %add3A_934 = arith.addi %add3A_933, %select_n3A_920 : i32
    %get3A_935 = arith.index_cast %add3A_934 : i32 to index
    %get3A_936 = memref.load %arg1[%get3A_935] : memref<512xf32, #tpu.memory_space<smem>>
    %get3A_937 = arith.constant 11 : index
    %get3A_938 = arith.constant 0 : index
    %get3A_939 = arith.constant 0 : index
    %get3A_940 = vector.load %arg2[%get3A_937, %get3A_938, %get3A_939] : memref<16x384x128xf32, #tpu.memory_space<vmem>>, vector<1x384x128xf32>
    %get3A_941 = vector.shape_cast %get3A_940 : vector<1x384x128xf32> to vector<384x128xf32>
    %mul3A_942 = vector.broadcast %get3A_927 : f32 to vector<384x128xf32>
    %mul3A_943 = arith.mulf %mul3A_942, %get3A_941 : vector<384x128xf32>
    %get3A_944 = arith.constant 11 : index
    %get3A_945 = arith.constant 0 : index
    %get3A_946 = arith.constant 0 : index
    %get3A_947 = vector.load %arg3[%get3A_944, %get3A_945, %get3A_946] : memref<16x384x128xf32, #tpu.memory_space<vmem>>, vector<1x384x128xf32>
    %get3A_948 = vector.shape_cast %get3A_947 : vector<1x384x128xf32> to vector<384x128xf32>
    %mul3A_949 = vector.broadcast %get3A_936 : f32 to vector<384x128xf32>
    %mul3A_950 = arith.mulf %mul3A_949, %get3A_948 : vector<384x128xf32>
    %add3A_951 = arith.addf %mul3A_943, %mul3A_950 : vector<384x128xf32>
    %swap3A_952 = arith.constant 11 : index
    %swap3A_953 = arith.constant 0 : index
    %swap3A_954 = arith.constant 0 : index
    %swap3A_955 = vector.load %arg4[%swap3A_952, %swap3A_953, %swap3A_954] : memref<16x384x128xf32, #tpu.memory_space<vmem>>, vector<1x384x128xf32>
    %swap3A_956 = vector.shape_cast %swap3A_955 : vector<1x384x128xf32> to vector<384x128xf32>
    %swap3A_957 = vector.shape_cast %add3A_951 : vector<384x128xf32> to vector<1x384x128xf32>
    tpu.vector_store %arg4[%swap3A_952, %swap3A_953, %swap3A_954], %swap3A_957 {strides = array<i32>} : memref<16x384x128xf32, #tpu.memory_space<vmem>>, vector<1x384x128xf32>,
    %mul3A_958 = arith.constant 16 : i32
    %mul3A_959 = arith.muli %arg0, %mul3A_958 : i32
    %add3A_960 = arith.constant 12 : i32
    %add3A_961 = arith.addi %mul3A_959, %add3A_960 : i32
    %jit3A_962 = arith.constant 16 : i32
    %div3A_963 = arith.divsi %add3A_961, %jit3A_962 : i32
    %sign3A_964 = arith.constant 0 : i32
    %sign3A_965 = arith.cmpi sgt, %add3A_961, %sign3A_964 : i32
    %sign3A_966 = arith.extui %sign3A_965 : i1 to i32
    %sign3A_967 = arith.constant 0 : i32
    %sign3A_968 = arith.cmpi slt, %add3A_961, %sign3A_967 : i32
    %sign3A_969 = arith.extui %sign3A_968 : i1 to i32
    %sign3A_970 = arith.subi %sign3A_966, %sign3A_969 : i32
    %sign3A_971 = arith.constant 0 : i32
    %sign3A_972 = arith.cmpi sgt, %jit3A_962, %sign3A_971 : i32
    %sign3A_973 = arith.extui %sign3A_972 : i1 to i32
    %sign3A_974 = arith.constant 0 : i32
    %sign3A_975 = arith.cmpi slt, %jit3A_962, %sign3A_974 : i32
    %sign3A_976 = arith.extui %sign3A_975 : i1 to i32
    %sign3A_977 = arith.subi %sign3A_973, %sign3A_976 : i32
    %ne3A_978 = arith.cmpi ne, %sign3A_970, %sign3A_977 : i32
    %rem3A_979 = arith.remsi %add3A_961, %jit3A_962 : i32
    %ne3A_980 = arith.constant 0 : i32
    %ne3A_981 = arith.cmpi ne, %rem3A_979, %ne3A_980 : i32
    %and3A_982 = arith.andi %ne3A_978, %ne3A_981 : i1
    %sub3A_983 = arith.constant 1 : i32
    %sub3A_984 = arith.subi %div3A_963, %sub3A_983 : i32
    %select_n3A_985 = arith.select %and3A_982, %sub3A_984, %div3A_963 : i32
    %jit3A_986 = arith.constant 16 : i32
    %eq3A_987 = arith.constant 0 : i32
    %eq3A_988 = arith.cmpi eq, %jit3A_986, %eq3A_987 : i32
    %jit3A_989 = arith.constant 1 : i32
    %select_n3A_990 = arith.select %eq3A_988, %jit3A_989, %jit3A_986 : i32
    %rem3A_991 = arith.remsi %add3A_961, %select_n3A_990 : i32
    %ne3A_992 = arith.constant 0 : i32
    %ne3A_993 = arith.cmpi ne, %rem3A_991, %ne3A_992 : i32
    %lt3A_994 = arith.constant 0 : i32
    %lt3A_995 = arith.cmpi slt, %rem3A_991, %lt3A_994 : i32
    %lt3A_996 = arith.constant 0 : i32
    %lt3A_997 = arith.cmpi slt, %select_n3A_990, %lt3A_996 : i32
    %ne3A_998 = arith.xori %lt3A_995, %lt3A_997 : i1
    %and3A_999 = arith.andi %ne3A_998, %ne3A_993 : i1
    %add3A_1000 = arith.addi %rem3A_991, %select_n3A_990 : i32
    %select_n3A_1001 = arith.select %and3A_999, %add3A_1000, %rem3A_991 : i32
    %mul3A_1002 = arith.constant 2 : i32
    %mul3A_1003 = arith.muli %select_n3A_985, %mul3A_1002 : i32
    %mul3A_1004 = arith.constant 16 : i32
    %mul3A_1005 = arith.muli %mul3A_1003, %mul3A_1004 : i32
    %add3A_1006 = arith.addi %mul3A_1005, %select_n3A_1001 : i32
    %get3A_1007 = arith.index_cast %add3A_1006 : i32 to index
    %get3A_1008 = memref.load %arg1[%get3A_1007] : memref<512xf32, #tpu.memory_space<smem>>
    %mul3A_1009 = arith.constant 2 : i32
    %mul3A_1010 = arith.muli %select_n3A_985, %mul3A_1009 : i32
    %mul3A_1011 = arith.constant 16 : i32
    %mul3A_1012 = arith.muli %mul3A_1010, %mul3A_1011 : i32
    %add3A_1013 = arith.constant 16 : i32
    %add3A_1014 = arith.addi %mul3A_1012, %add3A_1013 : i32
    %add3A_1015 = arith.addi %add3A_1014, %select_n3A_1001 : i32
    %get3A_1016 = arith.index_cast %add3A_1015 : i32 to index
    %get3A_1017 = memref.load %arg1[%get3A_1016] : memref<512xf32, #tpu.memory_space<smem>>
    %get3A_1018 = arith.constant 12 : index
    %get3A_1019 = arith.constant 0 : index
    %get3A_1020 = arith.constant 0 : index
    %get3A_1021 = vector.load %arg2[%get3A_1018, %get3A_1019, %get3A_1020] : memref<16x384x128xf32, #tpu.memory_space<vmem>>, vector<1x384x128xf32>
    %get3A_1022 = vector.shape_cast %get3A_1021 : vector<1x384x128xf32> to vector<384x128xf32>
    %mul3A_1023 = vector.broadcast %get3A_1008 : f32 to vector<384x128xf32>
    %mul3A_1024 = arith.mulf %mul3A_1023, %get3A_1022 : vector<384x128xf32>
    %get3A_1025 = arith.constant 12 : index
    %get3A_1026 = arith.constant 0 : index
    %get3A_1027 = arith.constant 0 : index
    %get3A_1028 = vector.load %arg3[%get3A_1025, %get3A_1026, %get3A_1027] : memref<16x384x128xf32, #tpu.memory_space<vmem>>, vector<1x384x128xf32>
    %get3A_1029 = vector.shape_cast %get3A_1028 : vector<1x384x128xf32> to vector<384x128xf32>
    %mul3A_1030 = vector.broadcast %get3A_1017 : f32 to vector<384x128xf32>
    %mul3A_1031 = arith.mulf %mul3A_1030, %get3A_1029 : vector<384x128xf32>
    %add3A_1032 = arith.addf %mul3A_1024, %mul3A_1031 : vector<384x128xf32>
    %swap3A_1033 = arith.constant 12 : index
    %swap3A_1034 = arith.constant 0 : index
    %swap3A_1035 = arith.constant 0 : index
    %swap3A_1036 = vector.load %arg4[%swap3A_1033, %swap3A_1034, %swap3A_1035] : memref<16x384x128xf32, #tpu.memory_space<vmem>>, vector<1x384x128xf32>
    %swap3A_1037 = vector.shape_cast %swap3A_1036 : vector<1x384x128xf32> to vector<384x128xf32>
    %swap3A_1038 = vector.shape_cast %add3A_1032 : vector<384x128xf32> to vector<1x384x128xf32>
    tpu.vector_store %arg4[%swap3A_1033, %swap3A_1034, %swap3A_1035], %swap3A_1038 {strides = array<i32>} : memref<16x384x128xf32, #tpu.memory_space<vmem>>, vector<1x384x128xf32>,
    %mul3A_1039 = arith.constant 16 : i32
    %mul3A_1040 = arith.muli %arg0, %mul3A_1039 : i32
    %add3A_1041 = arith.constant 13 : i32
    %add3A_1042 = arith.addi %mul3A_1040, %add3A_1041 : i32
    %jit3A_1043 = arith.constant 16 : i32
    %div3A_1044 = arith.divsi %add3A_1042, %jit3A_1043 : i32
    %sign3A_1045 = arith.constant 0 : i32
    %sign3A_1046 = arith.cmpi sgt, %add3A_1042, %sign3A_1045 : i32
    %sign3A_1047 = arith.extui %sign3A_1046 : i1 to i32
    %sign3A_1048 = arith.constant 0 : i32
    %sign3A_1049 = arith.cmpi slt, %add3A_1042, %sign3A_1048 : i32
    %sign3A_1050 = arith.extui %sign3A_1049 : i1 to i32
    %sign3A_1051 = arith.subi %sign3A_1047, %sign3A_1050 : i32
    %sign3A_1052 = arith.constant 0 : i32
    %sign3A_1053 = arith.cmpi sgt, %jit3A_1043, %sign3A_1052 : i32
    %sign3A_1054 = arith.extui %sign3A_1053 : i1 to i32
    %sign3A_1055 = arith.constant 0 : i32
    %sign3A_1056 = arith.cmpi slt, %jit3A_1043, %sign3A_1055 : i32
    %sign3A_1057 = arith.extui %sign3A_1056 : i1 to i32
    %sign3A_1058 = arith.subi %sign3A_1054, %sign3A_1057 : i32
    %ne3A_1059 = arith.cmpi ne, %sign3A_1051, %sign3A_1058 : i32
    %rem3A_1060 = arith.remsi %add3A_1042, %jit3A_1043 : i32
    %ne3A_1061 = arith.constant 0 : i32
    %ne3A_1062 = arith.cmpi ne, %rem3A_1060, %ne3A_1061 : i32
    %and3A_1063 = arith.andi %ne3A_1059, %ne3A_1062 : i1
    %sub3A_1064 = arith.constant 1 : i32
    %sub3A_1065 = arith.subi %div3A_1044, %sub3A_1064 : i32
    %select_n3A_1066 = arith.select %and3A_1063, %sub3A_1065, %div3A_1044 : i32
    %jit3A_1067 = arith.constant 16 : i32
    %eq3A_1068 = arith.constant 0 : i32
    %eq3A_1069 = arith.cmpi eq, %jit3A_1067, %eq3A_1068 : i32
    %jit3A_1070 = arith.constant 1 : i32
    %select_n3A_1071 = arith.select %eq3A_1069, %jit3A_1070, %jit3A_1067 : i32
    %rem3A_1072 = arith.remsi %add3A_1042, %select_n3A_1071 : i32
    %ne3A_1073 = arith.constant 0 : i32
    %ne3A_1074 = arith.cmpi ne, %rem3A_1072, %ne3A_1073 : i32
    %lt3A_1075 = arith.constant 0 : i32
    %lt3A_1076 = arith.cmpi slt, %rem3A_1072, %lt3A_1075 : i32
    %lt3A_1077 = arith.constant 0 : i32
    %lt3A_1078 = arith.cmpi slt, %select_n3A_1071, %lt3A_1077 : i32
    %ne3A_1079 = arith.xori %lt3A_1076, %lt3A_1078 : i1
    %and3A_1080 = arith.andi %ne3A_1079, %ne3A_1074 : i1
    %add3A_1081 = arith.addi %rem3A_1072, %select_n3A_1071 : i32
    %select_n3A_1082 = arith.select %and3A_1080, %add3A_1081, %rem3A_1072 : i32
    %mul3A_1083 = arith.constant 2 : i32
    %mul3A_1084 = arith.muli %select_n3A_1066, %mul3A_1083 : i32
    %mul3A_1085 = arith.constant 16 : i32
    %mul3A_1086 = arith.muli %mul3A_1084, %mul3A_1085 : i32
    %add3A_1087 = arith.addi %mul3A_1086, %select_n3A_1082 : i32
    %get3A_1088 = arith.index_cast %add3A_1087 : i32 to index
    %get3A_1089 = memref.load %arg1[%get3A_1088] : memref<512xf32, #tpu.memory_space<smem>>
    %mul3A_1090 = arith.constant 2 : i32
    %mul3A_1091 = arith.muli %select_n3A_1066, %mul3A_1090 : i32
    %mul3A_1092 = arith.constant 16 : i32
    %mul3A_1093 = arith.muli %mul3A_1091, %mul3A_1092 : i32
    %add3A_1094 = arith.constant 16 : i32
    %add3A_1095 = arith.addi %mul3A_1093, %add3A_1094 : i32
    %add3A_1096 = arith.addi %add3A_1095, %select_n3A_1082 : i32
    %get3A_1097 = arith.index_cast %add3A_1096 : i32 to index
    %get3A_1098 = memref.load %arg1[%get3A_1097] : memref<512xf32, #tpu.memory_space<smem>>
    %get3A_1099 = arith.constant 13 : index
    %get3A_1100 = arith.constant 0 : index
    %get3A_1101 = arith.constant 0 : index
    %get3A_1102 = vector.load %arg2[%get3A_1099, %get3A_1100, %get3A_1101] : memref<16x384x128xf32, #tpu.memory_space<vmem>>, vector<1x384x128xf32>
    %get3A_1103 = vector.shape_cast %get3A_1102 : vector<1x384x128xf32> to vector<384x128xf32>
    %mul3A_1104 = vector.broadcast %get3A_1089 : f32 to vector<384x128xf32>
    %mul3A_1105 = arith.mulf %mul3A_1104, %get3A_1103 : vector<384x128xf32>
    %get3A_1106 = arith.constant 13 : index
    %get3A_1107 = arith.constant 0 : index
    %get3A_1108 = arith.constant 0 : index
    %get3A_1109 = vector.load %arg3[%get3A_1106, %get3A_1107, %get3A_1108] : memref<16x384x128xf32, #tpu.memory_space<vmem>>, vector<1x384x128xf32>
    %get3A_1110 = vector.shape_cast %get3A_1109 : vector<1x384x128xf32> to vector<384x128xf32>
    %mul3A_1111 = vector.broadcast %get3A_1098 : f32 to vector<384x128xf32>
    %mul3A_1112 = arith.mulf %mul3A_1111, %get3A_1110 : vector<384x128xf32>
    %add3A_1113 = arith.addf %mul3A_1105, %mul3A_1112 : vector<384x128xf32>
    %swap3A_1114 = arith.constant 13 : index
    %swap3A_1115 = arith.constant 0 : index
    %swap3A_1116 = arith.constant 0 : index
    %swap3A_1117 = vector.load %arg4[%swap3A_1114, %swap3A_1115, %swap3A_1116] : memref<16x384x128xf32, #tpu.memory_space<vmem>>, vector<1x384x128xf32>
    %swap3A_1118 = vector.shape_cast %swap3A_1117 : vector<1x384x128xf32> to vector<384x128xf32>
    %swap3A_1119 = vector.shape_cast %add3A_1113 : vector<384x128xf32> to vector<1x384x128xf32>
    tpu.vector_store %arg4[%swap3A_1114, %swap3A_1115, %swap3A_1116], %swap3A_1119 {strides = array<i32>} : memref<16x384x128xf32, #tpu.memory_space<vmem>>, vector<1x384x128xf32>,
    %mul3A_1120 = arith.constant 16 : i32
    %mul3A_1121 = arith.muli %arg0, %mul3A_1120 : i32
    %add3A_1122 = arith.constant 14 : i32
    %add3A_1123 = arith.addi %mul3A_1121, %add3A_1122 : i32
    %jit3A_1124 = arith.constant 16 : i32
    %div3A_1125 = arith.divsi %add3A_1123, %jit3A_1124 : i32
    %sign3A_1126 = arith.constant 0 : i32
    %sign3A_1127 = arith.cmpi sgt, %add3A_1123, %sign3A_1126 : i32
    %sign3A_1128 = arith.extui %sign3A_1127 : i1 to i32
    %sign3A_1129 = arith.constant 0 : i32
    %sign3A_1130 = arith.cmpi slt, %add3A_1123, %sign3A_1129 : i32
    %sign3A_1131 = arith.extui %sign3A_1130 : i1 to i32
    %sign3A_1132 = arith.subi %sign3A_1128, %sign3A_1131 : i32
    %sign3A_1133 = arith.constant 0 : i32
    %sign3A_1134 = arith.cmpi sgt, %jit3A_1124, %sign3A_1133 : i32
    %sign3A_1135 = arith.extui %sign3A_1134 : i1 to i32
    %sign3A_1136 = arith.constant 0 : i32
    %sign3A_1137 = arith.cmpi slt, %jit3A_1124, %sign3A_1136 : i32
    %sign3A_1138 = arith.extui %sign3A_1137 : i1 to i32
    %sign3A_1139 = arith.subi %sign3A_1135, %sign3A_1138 : i32
    %ne3A_1140 = arith.cmpi ne, %sign3A_1132, %sign3A_1139 : i32
    %rem3A_1141 = arith.remsi %add3A_1123, %jit3A_1124 : i32
    %ne3A_1142 = arith.constant 0 : i32
    %ne3A_1143 = arith.cmpi ne, %rem3A_1141, %ne3A_1142 : i32
    %and3A_1144 = arith.andi %ne3A_1140, %ne3A_1143 : i1
    %sub3A_1145 = arith.constant 1 : i32
    %sub3A_1146 = arith.subi %div3A_1125, %sub3A_1145 : i32
    %select_n3A_1147 = arith.select %and3A_1144, %sub3A_1146, %div3A_1125 : i32
    %jit3A_1148 = arith.constant 16 : i32
    %eq3A_1149 = arith.constant 0 : i32
    %eq3A_1150 = arith.cmpi eq, %jit3A_1148, %eq3A_1149 : i32
    %jit3A_1151 = arith.constant 1 : i32
    %select_n3A_1152 = arith.select %eq3A_1150, %jit3A_1151, %jit3A_1148 : i32
    %rem3A_1153 = arith.remsi %add3A_1123, %select_n3A_1152 : i32
    %ne3A_1154 = arith.constant 0 : i32
    %ne3A_1155 = arith.cmpi ne, %rem3A_1153, %ne3A_1154 : i32
    %lt3A_1156 = arith.constant 0 : i32
    %lt3A_1157 = arith.cmpi slt, %rem3A_1153, %lt3A_1156 : i32
    %lt3A_1158 = arith.constant 0 : i32
    %lt3A_1159 = arith.cmpi slt, %select_n3A_1152, %lt3A_1158 : i32
    %ne3A_1160 = arith.xori %lt3A_1157, %lt3A_1159 : i1
    %and3A_1161 = arith.andi %ne3A_1160, %ne3A_1155 : i1
    %add3A_1162 = arith.addi %rem3A_1153, %select_n3A_1152 : i32
    %select_n3A_1163 = arith.select %and3A_1161, %add3A_1162, %rem3A_1153 : i32
    %mul3A_1164 = arith.constant 2 : i32
    %mul3A_1165 = arith.muli %select_n3A_1147, %mul3A_1164 : i32
    %mul3A_1166 = arith.constant 16 : i32
    %mul3A_1167 = arith.muli %mul3A_1165, %mul3A_1166 : i32
    %add3A_1168 = arith.addi %mul3A_1167, %select_n3A_1163 : i32
    %get3A_1169 = arith.index_cast %add3A_1168 : i32 to index
    %get3A_1170 = memref.load %arg1[%get3A_1169] : memref<512xf32, #tpu.memory_space<smem>>
    %mul3A_1171 = arith.constant 2 : i32
    %mul3A_1172 = arith.muli %select_n3A_1147, %mul3A_1171 : i32
    %mul3A_1173 = arith.constant 16 : i32
    %mul3A_1174 = arith.muli %mul3A_1172, %mul3A_1173 : i32
    %add3A_1175 = arith.constant 16 : i32
    %add3A_1176 = arith.addi %mul3A_1174, %add3A_1175 : i32
    %add3A_1177 = arith.addi %add3A_1176, %select_n3A_1163 : i32
    %get3A_1178 = arith.index_cast %add3A_1177 : i32 to index
    %get3A_1179 = memref.load %arg1[%get3A_1178] : memref<512xf32, #tpu.memory_space<smem>>
    %get3A_1180 = arith.constant 14 : index
    %get3A_1181 = arith.constant 0 : index
    %get3A_1182 = arith.constant 0 : index
    %get3A_1183 = vector.load %arg2[%get3A_1180, %get3A_1181, %get3A_1182] : memref<16x384x128xf32, #tpu.memory_space<vmem>>, vector<1x384x128xf32>
    %get3A_1184 = vector.shape_cast %get3A_1183 : vector<1x384x128xf32> to vector<384x128xf32>
    %mul3A_1185 = vector.broadcast %get3A_1170 : f32 to vector<384x128xf32>
    %mul3A_1186 = arith.mulf %mul3A_1185, %get3A_1184 : vector<384x128xf32>
    %get3A_1187 = arith.constant 14 : index
    %get3A_1188 = arith.constant 0 : index
    %get3A_1189 = arith.constant 0 : index
    %get3A_1190 = vector.load %arg3[%get3A_1187, %get3A_1188, %get3A_1189] : memref<16x384x128xf32, #tpu.memory_space<vmem>>, vector<1x384x128xf32>
    %get3A_1191 = vector.shape_cast %get3A_1190 : vector<1x384x128xf32> to vector<384x128xf32>
    %mul3A_1192 = vector.broadcast %get3A_1179 : f32 to vector<384x128xf32>
    %mul3A_1193 = arith.mulf %mul3A_1192, %get3A_1191 : vector<384x128xf32>
    %add3A_1194 = arith.addf %mul3A_1186, %mul3A_1193 : vector<384x128xf32>
    %swap3A_1195 = arith.constant 14 : index
    %swap3A_1196 = arith.constant 0 : index
    %swap3A_1197 = arith.constant 0 : index
    %swap3A_1198 = vector.load %arg4[%swap3A_1195, %swap3A_1196, %swap3A_1197] : memref<16x384x128xf32, #tpu.memory_space<vmem>>, vector<1x384x128xf32>
    %swap3A_1199 = vector.shape_cast %swap3A_1198 : vector<1x384x128xf32> to vector<384x128xf32>
    %swap3A_1200 = vector.shape_cast %add3A_1194 : vector<384x128xf32> to vector<1x384x128xf32>
    tpu.vector_store %arg4[%swap3A_1195, %swap3A_1196, %swap3A_1197], %swap3A_1200 {strides = array<i32>} : memref<16x384x128xf32, #tpu.memory_space<vmem>>, vector<1x384x128xf32>,
    %mul3A_1201 = arith.constant 16 : i32
    %mul3A_1202 = arith.muli %arg0, %mul3A_1201 : i32
    %add3A_1203 = arith.constant 15 : i32
    %add3A_1204 = arith.addi %mul3A_1202, %add3A_1203 : i32
    %jit3A_1205 = arith.constant 16 : i32
    %div3A_1206 = arith.divsi %add3A_1204, %jit3A_1205 : i32
    %sign3A_1207 = arith.constant 0 : i32
    %sign3A_1208 = arith.cmpi sgt, %add3A_1204, %sign3A_1207 : i32
    %sign3A_1209 = arith.extui %sign3A_1208 : i1 to i32
    %sign3A_1210 = arith.constant 0 : i32
    %sign3A_1211 = arith.cmpi slt, %add3A_1204, %sign3A_1210 : i32
    %sign3A_1212 = arith.extui %sign3A_1211 : i1 to i32
    %sign3A_1213 = arith.subi %sign3A_1209, %sign3A_1212 : i32
    %sign3A_1214 = arith.constant 0 : i32
    %sign3A_1215 = arith.cmpi sgt, %jit3A_1205, %sign3A_1214 : i32
    %sign3A_1216 = arith.extui %sign3A_1215 : i1 to i32
    %sign3A_1217 = arith.constant 0 : i32
    %sign3A_1218 = arith.cmpi slt, %jit3A_1205, %sign3A_1217 : i32
    %sign3A_1219 = arith.extui %sign3A_1218 : i1 to i32
    %sign3A_1220 = arith.subi %sign3A_1216, %sign3A_1219 : i32
    %ne3A_1221 = arith.cmpi ne, %sign3A_1213, %sign3A_1220 : i32
    %rem3A_1222 = arith.remsi %add3A_1204, %jit3A_1205 : i32
    %ne3A_1223 = arith.constant 0 : i32
    %ne3A_1224 = arith.cmpi ne, %rem3A_1222, %ne3A_1223 : i32
    %and3A_1225 = arith.andi %ne3A_1221, %ne3A_1224 : i1
    %sub3A_1226 = arith.constant 1 : i32
    %sub3A_1227 = arith.subi %div3A_1206, %sub3A_1226 : i32
    %select_n3A_1228 = arith.select %and3A_1225, %sub3A_1227, %div3A_1206 : i32
    %jit3A_1229 = arith.constant 16 : i32
    %eq3A_1230 = arith.constant 0 : i32
    %eq3A_1231 = arith.cmpi eq, %jit3A_1229, %eq3A_1230 : i32
    %jit3A_1232 = arith.constant 1 : i32
    %select_n3A_1233 = arith.select %eq3A_1231, %jit3A_1232, %jit3A_1229 : i32
    %rem3A_1234 = arith.remsi %add3A_1204, %select_n3A_1233 : i32
    %ne3A_1235 = arith.constant 0 : i32
    %ne3A_1236 = arith.cmpi ne, %rem3A_1234, %ne3A_1235 : i32
    %lt3A_1237 = arith.constant 0 : i32
    %lt3A_1238 = arith.cmpi slt, %rem3A_1234, %lt3A_1237 : i32
    %lt3A_1239 = arith.constant 0 : i32
    %lt3A_1240 = arith.cmpi slt, %select_n3A_1233, %lt3A_1239 : i32
    %ne3A_1241 = arith.xori %lt3A_1238, %lt3A_1240 : i1
    %and3A_1242 = arith.andi %ne3A_1241, %ne3A_1236 : i1
    %add3A_1243 = arith.addi %rem3A_1234, %select_n3A_1233 : i32
    %select_n3A_1244 = arith.select %and3A_1242, %add3A_1243, %rem3A_1234 : i32
    %mul3A_1245 = arith.constant 2 : i32
    %mul3A_1246 = arith.muli %select_n3A_1228, %mul3A_1245 : i32
    %mul3A_1247 = arith.constant 16 : i32
    %mul3A_1248 = arith.muli %mul3A_1246, %mul3A_1247 : i32
    %add3A_1249 = arith.addi %mul3A_1248, %select_n3A_1244 : i32
    %get3A_1250 = arith.index_cast %add3A_1249 : i32 to index
    %get3A_1251 = memref.load %arg1[%get3A_1250] : memref<512xf32, #tpu.memory_space<smem>>
    %mul3A_1252 = arith.constant 2 : i32
    %mul3A_1253 = arith.muli %select_n3A_1228, %mul3A_1252 : i32
    %mul3A_1254 = arith.constant 16 : i32
    %mul3A_1255 = arith.muli %mul3A_1253, %mul3A_1254 : i32
    %add3A_1256 = arith.constant 16 : i32
    %add3A_1257 = arith.addi %mul3A_1255, %add3A_1256 : i32
    %add3A_1258 = arith.addi %add3A_1257, %select_n3A_1244 : i32
    %get3A_1259 = arith.index_cast %add3A_1258 : i32 to index
    %get3A_1260 = memref.load %arg1[%get3A_1259] : memref<512xf32, #tpu.memory_space<smem>>
    %get3A_1261 = arith.constant 15 : index
    %get3A_1262 = arith.constant 0 : index
    %get3A_1263 = arith.constant 0 : index
    %get3A_1264 = vector.load %arg2[%get3A_1261, %get3A_1262, %get3A_1263] : memref<16x384x128xf32, #tpu.memory_space<vmem>>, vector<1x384x128xf32>
    %get3A_1265 = vector.shape_cast %get3A_1264 : vector<1x384x128xf32> to vector<384x128xf32>
    %mul3A_1266 = vector.broadcast %get3A_1251 : f32 to vector<384x128xf32>
    %mul3A_1267 = arith.mulf %mul3A_1266, %get3A_1265 : vector<384x128xf32>
    %get3A_1268 = arith.constant 15 : index
    %get3A_1269 = arith.constant 0 : index
    %get3A_1270 = arith.constant 0 : index
    %get3A_1271 = vector.load %arg3[%get3A_1268, %get3A_1269, %get3A_1270] : memref<16x384x128xf32, #tpu.memory_space<vmem>>, vector<1x384x128xf32>
    %get3A_1272 = vector.shape_cast %get3A_1271 : vector<1x384x128xf32> to vector<384x128xf32>
    %mul3A_1273 = vector.broadcast %get3A_1260 : f32 to vector<384x128xf32>
    %mul3A_1274 = arith.mulf %mul3A_1273, %get3A_1272 : vector<384x128xf32>
    %add3A_1275 = arith.addf %mul3A_1267, %mul3A_1274 : vector<384x128xf32>
    %swap3A_1276 = arith.constant 15 : index
    %swap3A_1277 = arith.constant 0 : index
    %swap3A_1278 = arith.constant 0 : index
    %swap3A_1279 = vector.load %arg4[%swap3A_1276, %swap3A_1277, %swap3A_1278] : memref<16x384x128xf32, #tpu.memory_space<vmem>>, vector<1x384x128xf32>
    %swap3A_1280 = vector.shape_cast %swap3A_1279 : vector<1x384x128xf32> to vector<384x128xf32>
    %swap3A_1281 = vector.shape_cast %add3A_1275 : vector<384x128xf32> to vector<1x384x128xf32>
    tpu.vector_store %arg4[%swap3A_1276, %swap3A_1277, %swap3A_1278], %swap3A_1281 {strides = array<i32>} : memref<16x384x128xf32, #tpu.memory_space<vmem>>, vector<1x384x128xf32>,
    return
  }
  func.func @transform_0(%arg0: i32) -> i32 {
    %c0_i32 = arith.constant 0 : i32
    %c0_i32_0 = arith.constant 0 : i32
    return %c0_i32 : i32
  }
  func.func @transform_1(%arg0: i32) -> (i32, i32, i32) {
    %c0_i32 = arith.constant 0 : i32
    %c0_i32_0 = arith.constant 0 : i32
    %c0_i32_1 = arith.constant 0 : i32
    return %arg0, %c0_i32, %c0_i32_0 : i32, i32, i32
  }
  func.func @transform_2(%arg0: i32) -> (i32, i32, i32) {
    %c0_i32 = arith.constant 0 : i32
    %c0_i32_0 = arith.constant 0 : i32
    %c0_i32_1 = arith.constant 0 : i32
    return %arg0, %c0_i32, %c0_i32_0 : i32, i32, i32
  }
  func.func @transform_3(%arg0: i32) -> (i32, i32, i32) {
    %c0_i32 = arith.constant 0 : i32
    %c0_i32_0 = arith.constant 0 : i32
    %c0_i32_1 = arith.constant 0 : i32
    return %arg0, %c0_i32, %c0_i32_0 : i32, i32, i32
  }
}

</mosaic_0001>

<sc_bundles>
// kernel: kernel.4.cloned.1.call-start
scs
__scs_entry_jumppad:
0x0: {  	(pc) =	sbr.rel $0x88, $3  }
0x1: {  	(tag) =	ssettag $0x0;
	lr =	simm.s32 $0x1  }
0x2: {  	[smem:$0x3F9C] =	sst lr;
	_ =	strace $0xD0000000  }
0x3: {  	_ = 	snop  }
0x4: {  	_ = 	snop  }
0x5: {  	_ = 	snop  }
0x6: {  	_ = 	snop  }
0x7: {  	_ = 	snop  }
__scs_overlays_trampoline_lowered:
0x8: {  	[smem:$0x3FAB] =	sst s0  }
0x9: {  	[smem:$0x3FAC] =	sst s1  }
0xa: {  	[smem:$0x3FAD] =	sst s2  }
0xb: {  	[smem:$0x3FAE] =	sst s3  }
0xc: {  	[smem:$0x3FAF] =	sst s4  }
0xd: {  	[smem:$0x3FB0] =	sst s5  }
0xe: {  	[smem:$0x3FB1] =	sst s6  }
0xf: {  	[smem:$0x3FB2] =	sst s7  }
0x10: {  	[smem:$0x3FB3] =	sst s8  }
0x11: {  	[smem:$0x3FB4] =	sst s9;
	s0 =	simm.s32 @!p0 $0x0  }
0x12: {  	s1 =	sld [smem:$0x3F9A];
	s0 =	simm.s32 @p0 $0x1  }
0x13: {  	[smem:$0x3FB5] =	sst s0;
	s0 =	simm.s32 @!p1 $0x0  }
0x14: {  	s2 =	sld [smem:$0x3F99];
	s0 =	simm.s32 @p1 $0x1  }
0x15: {  	[smem:$0x3FB6] =	sst s0;
	s0 =	simm.s32 @!p2 $0x0  }
0x16: {  	s3 =	sld [smem:$0x3FDB];
	s0 =	simm.s32 @p2 $0x1  }
0x17: {  	s4 =	simm.s32 $0x1BF5;
	[smem:$0x3FB8] =	sst s0  }
0x18: {  	s0 =	sld [smem:$0x3F9B];
	_ =	swait.ge [sflag:s4], $0x0  }
0x19: {  	s7 =	sld [smem:$0x3F9C]  }
0x1a: {  	s8 =	sadd.s32 $0xFFFFE003, lr  }
0x1b: {  	s9 =	sadd.s32 $0xFFFFFEF7, lr;
	s5 =	simm.s32 $0xFFFFFFFF;
	p2 =	slt.u32 s8, $0xFFFFF086  }
0x1c: {  	p1 =	slt.u32 s9, $0xF7A;
	s5 =	simm.s32 @!p2 $0x0  }
0x1d: {  	s5 =	simm.s32 @p1 $0x1;
	p0 =	seq.s32 s7, s2  }
0x1e: {  	s7 =	smul.u32 @!p0 $0xF7A, s2;
	p2 =	seq.s32 @!p0 s5, $0x0  }
0x1f: {  	s9 =	smul.u32 $0xF7A, s1;
	s8 =	simm.s32 @!p0 $0x1BF5;
	p2 =	por !p2, p0  }
0x20: {  	[sflag:s8] =	ssyncset.s32 @!p0 $0xFFFFF086;
	s6 =	sadd.s32 @!p0 s3, s7;
	s7 =	simm.s32 @!p0 $0x108  }
0x21: {  	s3 =	sadd.s32 s3, s9;
	s6 =	sadd.s32 @!p0 $0x88, s6;
	s7 =	simm.s32 @p2 $0x1082  }
0x22: {  	[simem:s7], [sflag:s8] =	dma.local @!p0 [hbm:s6], $0xF7A  }
0x23: {  	s9 =	sor.u32 $0xD0000000, s2;
	s6 =	simm.s32 $0x108;
	_ =	swait.ge @!p0 [sflag:s8], $0x0  }
0x24: {  	s3 =	sadd.s32 $0x88, s3;
	s6 =	simm.s32 @!p1 $0x1082;
	[sflag:s4] =	ssyncset.s32 $0xFFFFF086  }
0x25: {  	[simem:s6], [sflag:s4] =	dma.local [hbm:s3], $0xF7A  }
0x26: {  	[smem:$0x3F9C] =	sst s1;
	(tag) =	ssettag s2;
	_ =	strace s9  }
0x27: {  	s1 =	sld [smem:$0x3FAC]  }
0x28: {  	s2 =	sld [smem:$0x3FAD]  }
0x29: {  	s4 =	sld [smem:$0x3FAF]  }
0x2a: {  	p0 =	seq.s32 s5, $0x0;
	s5 =	sld [smem:$0x3FB0]  }
0x2b: {  	s6 =	sld [smem:$0x3FB1]  }
0x2c: {  	s7 =	sld [smem:$0x3FB2]  }
0x2d: {  	s3 =	simm.s32 $0x108;
	s8 =	sld [smem:$0x3FB3]  }
0x2e: {  	s3 =	simm.s32 @!p0 $0x1082;
	s9 =	sld [smem:$0x3FB4]  }
0x2f: {  	lr =	sadd.s32 s0, s3;
	s0 =	sld [smem:$0x3FAB]  }
0x30: {  	s3 =	sld [smem:$0x3FAE]  }
0x31: {  	[smem:$0x3FB7] =	sst s10  }
0x32: {  	s10 =	sld [smem:$0x3FB5];
	_ =	sdelay $0x3  }
0x33: {  	p0 =	seq.s32 s10, $0x1;
	s10 =	sld [smem:$0x3FB7];
	_ =	sdelay $0x3  }
0x34: {  	[smem:$0x3FB7] =	sst s10  }
0x35: {  	s10 =	sld [smem:$0x3FB6];
	_ =	sdelay $0x3  }
0x36: {  	p1 =	seq.s32 s10, $0x1;
	s10 =	sld [smem:$0x3FB7];
	_ =	sdelay $0x3  }
0x37: {  	[smem:$0x3FB7] =	sst s10  }
0x38: {  	s10 =	sld [smem:$0x3FB8]  }
0x39: {  	_ = 	snop;
	(pc) =	sbr.ind lr, $3  }
0x3a: {  	_ = 	snop  }
0x3b: {  	_ = 	snop  }
0x3c: {  	p2 =	seq.s32 s10, $0x1;
	s10 =	sld [smem:$0x3FB7]  }
0x3d: {  	_ =	shalt  }
0x3e: {  	_ =	shalt  }
0x3f: {  	_ =	shalt  }
0x40: {  	_ =	shalt  }
0x41: {  	_ =	shalt  }
0x42: {  	_ =	shalt  }
0x43: {  	_ =	shalt  }
0x44: {  	_ =	shalt  }
0x45: {  	_ =	shalt  }
0x46: {  	_ =	shalt  }
0x47: {  	_ =	shalt  }
0x48: {  	_ =	shalt  }
0x49: {  	_ =	shalt  }
0x4a: {  	_ =	shalt  }
0x4b: {  	_ =	shalt  }
0x4c: {  	_ =	shalt  }
0x4d: {  	_ =	shalt  }
0x4e: {  	_ =	shalt  }
0x4f: {  	_ =	shalt  }
0x50: {  	_ =	shalt  }
0x51: {  	_ =	shalt  }
0x52: {  	_ =	shalt  }
0x53: {  	_ =	shalt  }
0x54: {  	_ =	shalt  }
0x55: {  	_ =	shalt  }
0x56: {  	_ =	shalt  }
0x57: {  	_ =	shalt  }
0x58: {  	_ =	shalt  }
0x59: {  	_ =	shalt  }
0x5a: {  	_ =	shalt  }
0x5b: {  	_ =	shalt  }
0x5c: {  	_ =	shalt  }
0x5d: {  	_ =	shalt  }
0x5e: {  	_ =	shalt  }
0x5f: {  	_ =	shalt  }
0x60: {  	_ =	shalt  }
0x61: {  	_ =	shalt  }
0x62: {  	_ =	shalt  }
0x63: {  	_ =	shalt  }
0x64: {  	_ =	shalt  }
0x65: {  	_ =	shalt  }
0x66: {  	_ =	shalt  }
0x67: {  	_ =	shalt  }
0x68: {  	_ =	shalt  }
0x69: {  	_ =	shalt  }
0x6a: {  	_ =	shalt  }
0x6b: {  	_ =	shalt  }
0x6c: {  	_ =	shalt  }
0x6d: {  	_ =	shalt  }
0x6e: {  	_ =	shalt  }
0x6f: {  	_ =	shalt  }
0x70: {  	_ =	shalt  }
0x71: {  	_ =	shalt  }
0x72: {  	_ =	shalt  }
0x73: {  	_ =	shalt  }
0x74: {  	_ =	shalt  }
0x75: {  	_ =	shalt  }
0x76: {  	_ =	shalt  }
0x77: {  	_ =	shalt  }
0x78: {  	_ =	shalt  }
0x79: {  	_ =	shalt  }
0x7a: {  	_ =	shalt  }
0x7b: {  	_ =	shalt  }
0x7c: {  	_ =	shalt  }
0x7d: {  	_ =	shalt  }
0x7e: {  	_ =	shalt  }
0x7f: {  	_ =	shalt  }
0x80: {  	_ =	shalt  }
0x81: {  	_ =	shalt  }
0x82: {  	_ =	shalt  }
0x83: {  	_ =	shalt  }
0x84: {  	_ =	shalt  }
0x85: {  	_ =	shalt  }
0x86: {  	_ =	shalt  }
0x87: {  	_ =	shalt  }
.Lfunc_end0:
.L_simem_size_0:
called_computation_lowered:
.L_overlay_start_0:
0x88: {  	s0 =	sld [smem:$0x3FD9]  }
0x89: {  	s1 =	sld [smem:$0x3FFE];
	_ =	sdelay $0x3  }
0x8a: {  	s0 =	sadd.s32 s1, s0  }
0x8b: {  	[smem:$0x3FC3] =	sst s0  }
0x8c: {  	_ = 	snop  }
0x8d: {  	s0 =	sld [smem:$0x3FD0]  }
0x8e: {  	s14 =	sld [smem:$0x3FC8]  }
0x8f: {  	s2 =	sld [smem:$0x3FC6]  }
0x90: {  	s4 =	simm.s32 $0xA;
	s5 =	simm.s32 $0x10;
	s3 =	sld [smem:$0x3FC5]  }
0x91: {  	[smem:s5], [sflag:s4] =	dma.local [hbm:s0], $0x1  }
0x92: {  	_ =	swait.eq [sflag:s4], $0x1  }
0x93: {  	[sflag:s4] =	ssyncset.done $0x0  }
0x94: {  	[sflag:s4] =	ssyncadd.s32 $0xFFFFFFFF  }
0x95: {  	s15 =	sld [smem:$0x11];
	(tm) =	ssettm $0x1  }
0x96: {  	s16 =	sld [smem:$0x3FFB];
	_ =	sdelay $0x3  }
0x97: {  	_ =	strace s16  }
0x98: {  	s4 =	sld [smem:$0x3FFC];
	_ =	sdelay $0x3  }
0x99: {  	_ =	strace s4  }
0x9a: {  	s4 =	sld [smem:$0x3FFD];
	_ =	sdelay $0x3  }
0x9b: {  	_ =	strace s4  }
0x9c: {  	_ =	strace $0x8FFFFFFF  }
0x9d: {  	s17 =	sld [smem:$0x3FDB];
	_ =	sdelay $0x1  }
0x9e: {  	s18 =	simm.s32 $_scs_section_size  }
0x9f: {  	s6 =	simm.s32 $_size__tile_overlayer_lowered;
	s7 =	simm.s32 $_tile_overlayer_lowered  }
0xa0: {  	s21 =	simm.s32 $0x1BFF;
	s20 =	sshll.u32 s7, $0x1;
	s4 =	sadd.s32 s18, s17  }
0xa1: {  	s8 =	simm.s32 $0x0;
	s19 =	sshll.u32 s6, $0x1;
	s6 =	sadd.s32 s20, s4  }
0xa2: {  	[timem:s8], [sflag:s21] =	dma.local [hbm:s6], s19  }
0xa3: {  	_ =	swait.ge [sflag:s21], s19  }
0xa4: {  	s5 =	ssub.s32 $0x0, s19;
	[sflag:s21] =	ssyncset.done $0x0  }
0xa5: {  	[sflag:s21] =	ssyncadd.s32 s5;
	_ =	sdelay $0x1  }
0xa6: {  	s22 =	simm.s32 $0x1B8B  }
0xa7: {  	_ =	swait.ge [sflag:s22], $0x1  }
0xa8: {  	[sflag:s22] =	ssyncset.done $0x0  }
0xa9: {  	s23 =	simm.s32 $0x1B8E;
	[sflag:s22] =	ssyncadd.s32 $0xFFFFFFFF  }
0xaa: {  	s24 =	simm.s32 $execute0_lowered;
	[smem:$0x3FD2] =	sst s23  }
0xab: {  	s5 =	sshll.u32 s24, $0x1;
	_ =	strace $0x80000046;
	[dreg:$0x1] =	wrdreg $0xFFFFFFFF  }
0xac: {  	s25 =	simm.s32 $_size_execute0_lowered;
	s4 =	sadd.s32 s4, s5;
	[dreg:$0x0] =	wrdreg $0x0  }
0xad: {  	s5 =	sshll.u32 s25, $0x1;
	[dreg:$0x2] =	wrdreg s4  }
0xae: {  	[dreg:$0x3] =	wrdreg s5  }
0xaf: {  	[dreg:$0x4] =	wrdreg $0xC0  }
0xb0: {  	_ =	task [dreg:s8], $0x5FFFF  }
0xb1: {  	[dreg:$0x1] =	wrdreg $0xFFFFFFFF  }
0xb2: {  	[dreg:$0x0] =	wrdreg $0x60  }
0xb3: {  	[dreg:$0x2] =	wrdreg s14  }
0xb4: {  	[dreg:$0x3] =	wrdreg s2  }
0xb5: {  	[dreg:$0x4] =	wrdreg s3  }
0xb6: {  	[dreg:$0x5] =	wrdreg s15  }
0xb7: {  	[dreg:$0x6] =	wrdreg $0x9  }
0xb8: {  	_ =	task.clear_ibuf [dreg:s8], $0x7FFFF;
	_ =	strace $0x90000046  }
0xb9: {  	s26 =	simm.s32 $0x9;
	_ =	strace $0x80000048  }
0xba: {  	_ =	swait.ge [sflag:s26], $0x1  }
0xbb: {  	[sflag:s26] =	ssyncadd.s32 $0xFFFFFFFF  }
0xbc: {  	_ =	strace $0x90000048  }
0xbd: {  	_ =	sfence  }
0xbe: {  	s28 =	sld [smem:$0x0];
	_ =	sdelay $0x1  }
0xbf: {  	s29 =	srdreg.scid  }
0xc0: {  	s30 =	sshll.u32 s29, $0xD;
	s31 =	sshrl.u32 s29, $0x2  }
0xc1: {  	s1 =	sand.u32 $0x1, s29;
	s2 =	sand.u32 $0x4000, s30;
	s0 =	sadd.s32 s31, s28  }
0xc2: {  	s1 =	sor.u32 s2, s1;
	s0 =	sshll.u32 s0, $0x11  }
0xc3: {  	s0 =	sor.u32 s0, s1  }
0xc4: {  	s0 =	sadd.s32 $0x8F2B, s0  }
0xc5: {  	[sflag:s0] =	ssyncadd.remote.s32 $0x1  }
0xc6: {  	_ =	sfence.sel $0xFFFF  }
0xc7: {  	[dreg:$0x0] =	wrdreg $0xFFFFFFFF;
	(pc) =	sbr.abs _section_cstart, $3  }
0xc8: {  	[dreg:$0x1] =	wrdreg $0xFFFFFFFF  }
0xc9: {  	_ =	task.clear_ibuf [dreg:s8], $0x2FFFF;
	_ =	strace $0x9FFFFFFF  }
0xca: {  	(tm) =	ssettm $0x7FFFFFFF  }
0xcb: {  	_ =	shalt  }
tec
execute0_lowered:
.L_overlay_start_1:
0x0: {  	(tag) =	ssettag $0x1  }
0x1: {  	s0 =	rddreg [dreg:$0x0]  }
0x2: {  	s1 =	rddreg [dreg:$0x1]  }
0x3: {  	s2 =	rddreg [dreg:$0x2]  }
0x4: {  	s3 =	rddreg [dreg:$0x3];
	s5 =	simm.s32 $0x0;
	s6 =	stileid.u32  }
0x5: {  	[smem:$0x7FF] =	sst s5;
	s7 =	sshll.u32 s6, $0x1  }
0x6: {  	s4 =	rddreg [dreg:$0x4];
	_ =	strace $0x80000047;
	s0 =	sadd.s32 s0, s7  }
0x7: {  	[tilespmem:s5], [sflag:$0x1] =	stream.linear.gather [hbm4b:s0+s5], $0x10, $0x38;
	[tilespmem:$0x900] =	vst v63  }
0x8: {  	s25 =	simm.s32 $0x80  }
0x9: {  	[tilespmem:s25], [sflag:$0x1] =	stream.linear.gather [hbm4b:s1+s5], $0x3E8, $0x38;
	[tilespmem:$0x900] =	vst v63  }
0xa: {  	s26 =	simm.s32 $0x468;
	s28 =	simm.s32 $0x1  }
0xb: {  	[tilespmem:s26], [sflag:$0x1] =	stream.linear.gather [hbm4b:s2+s5], $0x3E8, $0x38;
	[tilespmem:$0x900] =	vst v63  }
0xc: {  	_ =	swait.ge [sflag:s28], $0x10  }
0xd: {  	[sflag:s28] =	ssyncset.done $0x0  }
0xe: {  	[sflag:s28] =	ssyncadd.s32 $0xFFFFFFF0  }
0xf: {  	_ =	swait.ge [sflag:s28], $0x3E8  }
0x10: {  	[sflag:s28] =	ssyncset.done $0x0  }
0x11: {  	[sflag:s28] =	ssyncadd.s32 $0xFFFFFC18  }
0x12: {  	_ =	swait.ge [sflag:s28], $0x3E8  }
0x13: {  	[sflag:s28] =	ssyncset.done $0x0  }
0x14: {  	[sflag:s28] =	ssyncadd.s32 $0xFFFFFC18  }
0x15: {  	v0 =	vld [tilespmem:$0x0];
	_ =	sdelay $0x7  }
0x16: {  	v1 =	vld.idx.msk [tilespmem:v0+s25+$0x0], $0xffff  }
0x17: {  	v0 =	vadd.s32 $0x3E8, v0;
	_ =	sdelay $0x3  }
0x18: {  	[tilespmem:$0x880] =	vst v1  }
0x19: {  	v0 =	vld.idx.msk [tilespmem:v0+s25+$0x0], $0xffff;
	_ =	sdelay $0x3  }
0x1a: {  	s29 =	sshll.u32 s6, $0x2  }
0x1b: {  	s30 =	simm.s32 $0x880;
	s31 =	simm.s32 $0x2;
	s0 =	sadd.s32 s3, s29;
	[tilespmem:$0x890] =	vst v0  }
0x1c: {  	[hbm4b:s0+s5] =	stream.linear.scatter [tilespmem:s30], [sflag:$0x2], $0x20, $0x38;
	[tilespmem:$0x900] =	vst v63  }
0x1d: {  	_ =	swait.ge [sflag:s31], $0x20  }
0x1e: {  	[sflag:s31] =	ssyncset.done $0x0  }
0x1f: {  	[sflag:s31] =	ssyncadd.s32 $0xFFFFFFE0  }
0x20: {  	_ =	sfence.sel $0x180000  }
0x21: {  	[bflag:$0x0] =	sbarrier.arrive $0xFFFF  }
0x22: {  	p0 =	sne.s32 s6, $0x0;
	_ =	strace $0x90000047  }
0x23: {  	s0 =	sadd.s32 @!p0 $0x100000, s4;
	[bflag:$0x2] =	sbarrier.arrive $0xFFFF  }
0x24: {  	[sflag:s0] =	ssyncadd.tile.s32 @!p0 $0x1;
	_ =	shalt  }
.Lfunc_end2:
_tile_overlayer_lowered:
.L_overlay_start_2:
0x25: {  	(tag) =	ssettag $0x2  }
0x26: {  	s0 =	rddreg [dreg:$0x0];
	s2 =	stileid.u32  }
0x27: {  	s1 =	rddreg [dreg:$0x1];
	p0 =	sne.s32 s2, $0x0  }
0x28: {  	s3 =	rddreg [dreg:$0x2];
	[bflag:$0x3] =	sbarrier.arrive $0xFFFF;
	s2 =	simm.s32 @!p0 $0x1C03  }
0x29: {  	[timem:s3], [sflag:s2] =	dma.local @!p0 [hbm:s0], s1  }
0x2a: {  	s0 =	simm.s32 @!p0 $0x3  }
0x2b: {  	_ =	swait.ge @!p0 [sflag:s0], s1  }
0x2c: {  	s1 =	ssub.s32 @!p0 $0x0, s1;
	[sflag:s0] =	ssyncset.done @!p0 $0x0  }
0x2d: {  	[sflag:s0] =	ssyncadd.s32 @!p0 s1  }
0x2e: {  	[bflag:$0x3] =	sbarrier.arrive $0xFFFF  }
0x2f: {  	_ =	shalt  }

</sc_bundles>
